<compile_context>
chip_gen: v7x
topology: tpu7x:2x2x1
jax: 0.10.2.dev20260603
libtpu: 0.0.44.dev20260713+nightly
codegen_flags: <defaults>
</compile_context>

<pallas_src>
import functools

import jax
import jax.numpy as jnp
from jax import lax
from jax.experimental import pallas as pl
from jax.experimental.pallas import tpu as pltpu
from jax.experimental.pallas import tpu_sc as plsc

N_NODES = 10000
N_EDGES = 320000
D = 128

NC = 2
NS = 16
CHUNK = 128
CPT = 78
TAIL = 16
EPT = CPT * CHUNK + TAIL
PH0 = 40 * CHUNK
PH1_OFF = EPT - PH0
SKIP = PH0 - PH1_OFF
ROWS_PER_TILE = 624
TAIL_ROWS = N_NODES - NS * ROWS_PER_TILE
N_AGG = 10000
NB = 2
NBLK = CPT // NB


def _linear_body(x_ref, w_ref, b_ref, o_ref):
    o_ref[...] = lax.dot_general(
        x_ref[...], w_ref[...], (((1,), (1,)), ((), ())),
        preferred_element_type=jnp.float32,
    ) + b_ref[...]


def _combine_body(a0_ref, a1_ref, h_ref, w_ref, b_ref, o_ref):
    agg = a0_ref[0] + a1_ref[0] - h_ref[...]
    o_ref[...] = lax.dot_general(
        jnp.maximum(agg, 0.0), w_ref[...], (((1,), (1,)), ((), ())),
        preferred_element_type=jnp.float32,
    ) + b_ref[...]


_ROW_BLK = 1000


def _tc_linear(x, w, b):
    return pl.pallas_call(
        _linear_body,
        out_shape=jax.ShapeDtypeStruct((N_NODES, D), jnp.float32),
        grid=(N_NODES // _ROW_BLK,),
        in_specs=[
            pl.BlockSpec((_ROW_BLK, D), lambda i: (i, 0)),
            pl.BlockSpec((D, D), lambda i: (0, 0)),
            pl.BlockSpec((1, D), lambda i: (0, 0)),
        ],
        out_specs=pl.BlockSpec((_ROW_BLK, D), lambda i: (i, 0)),
    )(x, w, b.reshape(1, D))


def _tc_combine(aggs, h, w, b):
    return pl.pallas_call(
        _combine_body,
        out_shape=jax.ShapeDtypeStruct((N_NODES, D), jnp.float32),
        grid=(N_NODES // _ROW_BLK,),
        in_specs=[
            pl.BlockSpec((1, _ROW_BLK, D), lambda i: (0, i, 0)),
            pl.BlockSpec((1, _ROW_BLK, D), lambda i: (1, i, 0)),
            pl.BlockSpec((_ROW_BLK, D), lambda i: (i, 0)),
            pl.BlockSpec((D, D), lambda i: (0, 0)),
            pl.BlockSpec((1, D), lambda i: (0, 0)),
        ],
        out_specs=pl.BlockSpec((_ROW_BLK, D), lambda i: (i, 0)),
    )(aggs, aggs, h, w, b.reshape(1, D))


def _sc_agg_body(h_hbm, ei_hbm, out_hbm, src_v, dst_v,
                 r0, r1, rt, agg_sh, g0, g1, s0, s1):
    rows = [r0, r1]
    gsems = [g0, g1]
    ssems = [s0, s1]
    c = lax.axis_index("c")
    s = lax.axis_index("s")
    wid = c * NS + s
    def _stage(off, size):
        pltpu.sync_copy(ei_hbm.at[pl.ds(wid * EPT + off, size)], src_v)
        pltpu.sync_copy(ei_hbm.at[pl.ds(N_EDGES + wid * EPT + off, size)],
                        dst_v)

    _stage(0, PH0)
    pltpu.sync_copy(h_hbm.at[pl.ds(s * ROWS_PER_TILE, ROWS_PER_TILE)],
                    agg_sh.at[pl.ds(s * ROWS_PER_TILE, ROWS_PER_TILE)])

    @pl.when(s == NS - 1)
    def _init_tail():
        pltpu.sync_copy(h_hbm.at[pl.ds(NS * ROWS_PER_TILE, TAIL_ROWS)],
                        agg_sh.at[pl.ds(NS * ROWS_PER_TILE, TAIL_ROWS)])

    plsc.subcore_barrier()

    def _run(npairs, off):
        for b in range(2):
            pltpu.async_copy(h_hbm.at[src_v.at[pl.ds(off + b * CHUNK, CHUNK)]],
                             rows[b], gsems[b])

        def blk(i, carry):
            base = off + i * 2 * CHUNK
            for b in range(2):
                pltpu.make_async_copy(
                    h_hbm.at[pl.ds(0, CHUNK)], rows[b], gsems[b]).wait()
                pltpu.async_copy(
                    rows[b], agg_sh.at[dst_v.at[pl.ds(base + b * CHUNK, CHUNK)]],
                    ssems[b], add=True)

            @pl.when(i < npairs - 1)
            def _prefetch():
                for b in range(2):
                    pltpu.make_async_copy(
                        h_hbm.at[pl.ds(0, CHUNK)], rows[b], ssems[b]).wait()
                    pltpu.async_copy(
                        h_hbm.at[src_v.at[pl.ds(base + (2 + b) * CHUNK, CHUNK)]],
                        rows[b], gsems[b])

            return carry

        lax.fori_loop(0, npairs, blk, 0)
        for b in range(2):
            pltpu.make_async_copy(
                h_hbm.at[pl.ds(0, CHUNK)], rows[b], ssems[b]).wait()

    _run(PH0 // (2 * CHUNK), 0)
    _stage(PH1_OFF, PH0)
    _run((PH0 - SKIP - TAIL) // (2 * CHUNK), SKIP)
    pltpu.async_copy(h_hbm.at[src_v.at[pl.ds(PH0 - TAIL, TAIL)]], rt,
                     gsems[0]).wait()
    pltpu.async_copy(rt, agg_sh.at[dst_v.at[pl.ds(PH0 - TAIL, TAIL)]],
                     ssems[0], add=True).wait()
    plsc.subcore_barrier()
    pltpu.sync_copy(agg_sh.at[pl.ds(s * ROWS_PER_TILE, ROWS_PER_TILE)],
                    out_hbm.at[c, pl.ds(s * ROWS_PER_TILE, ROWS_PER_TILE)])

    @pl.when(s == NS - 1)
    def _out_tail():
        pltpu.sync_copy(agg_sh.at[pl.ds(NS * ROWS_PER_TILE, TAIL_ROWS)],
                        out_hbm.at[c, pl.ds(NS * ROWS_PER_TILE, TAIL_ROWS)])


@functools.lru_cache(maxsize=None)
def _get_sc_agg():
    return functools.partial(
        pl.kernel,
        out_type=jax.ShapeDtypeStruct((NC, N_NODES, D), jnp.float32),
        mesh=plsc.VectorSubcoreMesh(core_axis_name="c", subcore_axis_name="s",
                                    num_cores=NC, num_subcores=NS),
        scratch_types=[
            pltpu.VMEM((PH0,), jnp.int32),
            pltpu.VMEM((PH0,), jnp.int32),
            pltpu.VMEM((CHUNK, D), jnp.float32),
            pltpu.VMEM((CHUNK, D), jnp.float32),
            pltpu.VMEM((TAIL, D), jnp.float32),
            pltpu.VMEM_SHARED((N_AGG, D), jnp.float32),
            pltpu.SemaphoreType.DMA,
            pltpu.SemaphoreType.DMA,
            pltpu.SemaphoreType.DMA,
            pltpu.SemaphoreType.DMA,
        ],
    )(_sc_agg_body)


def kernel(x, edge_index, lin_w, lin_b, fc_w, fc_b):
    ei_flat = edge_index.astype(jnp.int32).reshape(-1)

    h = _tc_linear(x, lin_w, lin_b)
    aggs = _get_sc_agg()(h, ei_flat)
    return _tc_combine(aggs, h, fc_w, fc_b)

# --- scband reference (transcript-rebuilt; emitter-appended) ---
"""Pipeline reference for scband-gnnmodel-23665269801228 (READ-ONLY COPY).

The authoritative reference and input builder live on the scoring server;
editing this copy changes nothing except your own understanding.
"""

import jax, jax.numpy as jnp
import numpy as np

N_NODES = 10000
N_EDGES = 320000
D_IN = 128
D_HID = 128
D_OUT = 128


def setup_inputs(seed: int = 0) -> dict:
    key = jax.random.key(seed)
    k1, k2, k3, k4, k5, k6 = jax.random.split(key, 6)
    x = jax.random.normal(k1, (N_NODES, D_IN), dtype=jnp.float32)
    edge_index = jax.random.randint(k2, (2, N_EDGES), 0, N_NODES, dtype=jnp.int64)
    lim1 = 1.0 / np.sqrt(D_IN)
    lin_w = jax.random.uniform(k3, (D_HID, D_IN), minval=-lim1, maxval=lim1, dtype=jnp.float32)
    lin_b = jax.random.uniform(k4, (D_HID,), minval=-lim1, maxval=lim1, dtype=jnp.float32)
    lim2 = 1.0 / np.sqrt(D_HID)
    fc_w = jax.random.uniform(k5, (D_OUT, D_HID), minval=-lim2, maxval=lim2, dtype=jnp.float32)
    fc_b = jax.random.uniform(k6, (D_OUT,), minval=-lim2, maxval=lim2, dtype=jnp.float32)
    return {"x": x, "edge_index": edge_index, "lin_w": lin_w, "lin_b": lin_b, "fc_w": fc_w, "fc_b": fc_b}


def reference(x, edge_index, lin_w, lin_b, fc_w, fc_b):
    n = x.shape[0]
    # add_self_loops
    loop = jnp.arange(n, dtype=edge_index.dtype)
    src = jnp.concatenate([edge_index[0], loop])
    dst = jnp.concatenate([edge_index[1], loop])
    # GNNConv: linear then propagate (message = x_j, aggr='add', identity update)
    h = x @ lin_w.T + lin_b
    msg = jnp.take(h, src, axis=0)
    agg = jax.ops.segment_sum(msg, dst, num_segments=n)
    # relu + fc
    out = jnp.maximum(agg, 0.0) @ fc_w.T + fc_b
    return out

if __name__ == "__main__":
    import jax
    _d = setup_inputs()
    print(jax.jit(kernel)(*tuple(_d.values())))

</pallas_src>

<mosaic_0001>
#map = affine_map<(d0, d1) -> (0, 0)>
#map1 = affine_map<(d0, d1) -> (0)>
#map2 = affine_map<(d0, d1) -> (0, 0, 0)>
module attributes {stable_mosaic.version = 14 : i64} {
  func.func @_sc_agg_body(%arg0: i32, %arg1: i32, %arg2: memref<10000x128xf32, #tpu.memory_space<hbm>>, %arg3: memref<640000xi32, #tpu.memory_space<hbm>>, %arg4: memref<2x10000x128xf32, #tpu.memory_space<hbm>>, %arg5: memref<5120xi32, #tpu.memory_space<vmem>>, %arg6: memref<5120xi32, #tpu.memory_space<vmem>>, %arg7: memref<128x128xf32, #tpu.memory_space<vmem>>, %arg8: memref<128x128xf32, #tpu.memory_space<vmem>>, %arg9: memref<16x128xf32, #tpu.memory_space<vmem>>, %arg10: memref<10000x128xf32, #tpu.memory_space<vmem_shared>>, %arg11: memref<!tpu.dma_semaphore, #tpu.memory_space<semaphore_mem>>, %arg12: memref<!tpu.dma_semaphore, #tpu.memory_space<semaphore_mem>>, %arg13: memref<!tpu.dma_semaphore, #tpu.memory_space<semaphore_mem>>, %arg14: memref<!tpu.dma_semaphore, #tpu.memory_space<semaphore_mem>>) attributes {dimension_semantics = [#tpu.dimension_semantics<core_parallel>, #tpu.dimension_semantics<subcore_parallel>], iteration_bounds = array<i64: 2, 16>, scalar_prefetch = 0 : i64, scratch_operands = 10 : i64, tpu.core_type = #tpu.core_type<sc_vector_subcore>, window_params = [{transform_indices = #map}, {transform_indices = #map1}, {transform_indices = #map2}]} {
    %mul3A = arith.constant 16 : i32
    %mul3A_0 = arith.muli %arg0, %mul3A : i32
    %add3A = arith.addi %mul3A_0, %arg1 : i32
    %mul3A_1 = arith.constant 10000 : i32
    %mul3A_2 = arith.muli %add3A, %mul3A_1 : i32
    %add3A_3 = arith.constant 0 : i32
    %add3A_4 = arith.addi %mul3A_2, %add3A_3 : i32
    "tpu.region"() ({
      %run_scoped3A = tpu.sem_alloc : memref<!tpu.dma_semaphore, #tpu.memory_space<semaphore_mem>>
      %dma_start3A_110 = tpu.memref_slice %arg3[%add3A_4] : memref<640000xi32, #tpu.memory_space<hbm>> -> memref<5120xi32, #tpu.memory_space<hbm>>
      %dma_start3A_111 = tpu.memref_slice %arg3[%add3A_4] : memref<640000xi32, #tpu.memory_space<hbm>> -> memref<5120xi32, #tpu.memory_space<hbm>>
      tpu.enqueue_dma source(%dma_start3A_111 : memref<5120xi32, #tpu.memory_space<hbm>>) target(%arg5 : memref<5120xi32, #tpu.memory_space<vmem>>) target_semaphore(%run_scoped3A : memref<!tpu.dma_semaphore, #tpu.memory_space<semaphore_mem>>)
      %dma_wait3A_112 = tpu.memref_slice %arg3[%add3A_4] : memref<640000xi32, #tpu.memory_space<hbm>> -> memref<5120xi32, #tpu.memory_space<hbm>>
      %dma_wait3A_113 = tpu.memref_slice %arg3[%add3A_4] : memref<640000xi32, #tpu.memory_space<hbm>> -> memref<5120xi32, #tpu.memory_space<hbm>>
      tpu.wait_dma2 semaphore(%run_scoped3A : memref<!tpu.dma_semaphore, #tpu.memory_space<semaphore_mem>>) src(%dma_wait3A_113 : memref<5120xi32, #tpu.memory_space<hbm>>) dst(%arg5 : memref<5120xi32, #tpu.memory_space<vmem>>)
      tpu.yield
    }) : () -> ()
    %mul3A_5 = arith.constant 10000 : i32
    %mul3A_6 = arith.muli %add3A, %mul3A_5 : i32
    %add3A_7 = arith.constant 320000 : i32
    %add3A_8 = arith.addi %add3A_7, %mul3A_6 : i32
    %add3A_9 = arith.constant 0 : i32
    %add3A_10 = arith.addi %add3A_8, %add3A_9 : i32
    "tpu.region"() ({
      %run_scoped3A = tpu.sem_alloc : memref<!tpu.dma_semaphore, #tpu.memory_space<semaphore_mem>>
      %dma_start3A_110 = tpu.memref_slice %arg3[%add3A_10] : memref<640000xi32, #tpu.memory_space<hbm>> -> memref<5120xi32, #tpu.memory_space<hbm>>
      %dma_start3A_111 = tpu.memref_slice %arg3[%add3A_10] : memref<640000xi32, #tpu.memory_space<hbm>> -> memref<5120xi32, #tpu.memory_space<hbm>>
      tpu.enqueue_dma source(%dma_start3A_111 : memref<5120xi32, #tpu.memory_space<hbm>>) target(%arg6 : memref<5120xi32, #tpu.memory_space<vmem>>) target_semaphore(%run_scoped3A : memref<!tpu.dma_semaphore, #tpu.memory_space<semaphore_mem>>)
      %dma_wait3A_112 = tpu.memref_slice %arg3[%add3A_10] : memref<640000xi32, #tpu.memory_space<hbm>> -> memref<5120xi32, #tpu.memory_space<hbm>>
      %dma_wait3A_113 = tpu.memref_slice %arg3[%add3A_10] : memref<640000xi32, #tpu.memory_space<hbm>> -> memref<5120xi32, #tpu.memory_space<hbm>>
      tpu.wait_dma2 semaphore(%run_scoped3A : memref<!tpu.dma_semaphore, #tpu.memory_space<semaphore_mem>>) src(%dma_wait3A_113 : memref<5120xi32, #tpu.memory_space<hbm>>) dst(%arg6 : memref<5120xi32, #tpu.memory_space<vmem>>)
      tpu.yield
    }) : () -> ()
    %mul3A_11 = arith.constant 624 : i32
    %mul3A_12 = arith.muli %arg1, %mul3A_11 : i32
    %mul3A_13 = arith.constant 624 : i32
    %mul3A_14 = arith.muli %arg1, %mul3A_13 : i32
    "tpu.region"() ({
      %run_scoped3A = tpu.sem_alloc : memref<!tpu.dma_semaphore, #tpu.memory_space<semaphore_mem>>
      %dma_start3A_110 = arith.constant 0 : i32
      %dma_start3A_111 = tpu.memref_slice %arg10[%mul3A_14, %dma_start3A_110] : memref<10000x128xf32, #tpu.memory_space<vmem_shared>> -> memref<624x128xf32, #tpu.memory_space<vmem_shared>>
      %dma_start3A_112 = arith.constant 0 : i32
      %dma_start3A_113 = tpu.memref_slice %arg2[%mul3A_12, %dma_start3A_112] : memref<10000x128xf32, #tpu.memory_space<hbm>> -> memref<624x128xf32, #tpu.memory_space<hbm>>
      tpu.enqueue_dma source(%dma_start3A_113 : memref<624x128xf32, #tpu.memory_space<hbm>>) target(%dma_start3A_111 : memref<624x128xf32, #tpu.memory_space<vmem_shared>>) target_semaphore(%run_scoped3A : memref<!tpu.dma_semaphore, #tpu.memory_space<semaphore_mem>>)
      %dma_wait3A_114 = arith.constant 0 : i32
      %dma_wait3A_115 = tpu.memref_slice %arg10[%mul3A_14, %dma_wait3A_114] : memref<10000x128xf32, #tpu.memory_space<vmem_shared>> -> memref<624x128xf32, #tpu.memory_space<vmem_shared>>
      %dma_wait3A_116 = arith.constant 0 : i32
      %dma_wait3A_117 = tpu.memref_slice %arg2[%mul3A_12, %dma_wait3A_116] : memref<10000x128xf32, #tpu.memory_space<hbm>> -> memref<624x128xf32, #tpu.memory_space<hbm>>
      tpu.wait_dma2 semaphore(%run_scoped3A : memref<!tpu.dma_semaphore, #tpu.memory_space<semaphore_mem>>) src(%dma_wait3A_117 : memref<624x128xf32, #tpu.memory_space<hbm>>) dst(%dma_wait3A_115 : memref<624x128xf32, #tpu.memory_space<vmem_shared>>)
      tpu.yield
    }) : () -> ()
    %eq3A = arith.constant 15 : i32
    %eq3A_15 = arith.cmpi eq, %arg1, %eq3A : i32
    %convert_element_type3A = arith.extui %eq3A_15 : i1 to i32
    %cond3A = arith.constant 0 : i32
    %cond3A_16 = arith.cmpi ne, %convert_element_type3A, %cond3A : i32
    scf.if %cond3A_16 {
      "tpu.region"() ({
        %run_scoped3A = tpu.sem_alloc : memref<!tpu.dma_semaphore, #tpu.memory_space<semaphore_mem>>
        %dma_start3A_110 = arith.constant 9984 : i32
        %dma_start3A_111 = arith.constant 0 : i32
        %dma_start3A_112 = tpu.memref_slice %arg10[%dma_start3A_110, %dma_start3A_111] : memref<10000x128xf32, #tpu.memory_space<vmem_shared>> -> memref<16x128xf32, #tpu.memory_space<vmem_shared>>
        %dma_start3A_113 = arith.constant 9984 : i32
        %dma_start3A_114 = arith.constant 0 : i32
        %dma_start3A_115 = tpu.memref_slice %arg2[%dma_start3A_113, %dma_start3A_114] : memref<10000x128xf32, #tpu.memory_space<hbm>> -> memref<16x128xf32, #tpu.memory_space<hbm>>
        tpu.enqueue_dma source(%dma_start3A_115 : memref<16x128xf32, #tpu.memory_space<hbm>>) target(%dma_start3A_112 : memref<16x128xf32, #tpu.memory_space<vmem_shared>>) target_semaphore(%run_scoped3A : memref<!tpu.dma_semaphore, #tpu.memory_space<semaphore_mem>>)
        %dma_wait3A_116 = arith.constant 9984 : i32
        %dma_wait3A_117 = arith.constant 0 : i32
        %dma_wait3A_118 = tpu.memref_slice %arg10[%dma_wait3A_116, %dma_wait3A_117] : memref<10000x128xf32, #tpu.memory_space<vmem_shared>> -> memref<16x128xf32, #tpu.memory_space<vmem_shared>>
        %dma_wait3A_119 = arith.constant 9984 : i32
        %dma_wait3A_120 = arith.constant 0 : i32
        %dma_wait3A_121 = tpu.memref_slice %arg2[%dma_wait3A_119, %dma_wait3A_120] : memref<10000x128xf32, #tpu.memory_space<hbm>> -> memref<16x128xf32, #tpu.memory_space<hbm>>
        tpu.wait_dma2 semaphore(%run_scoped3A : memref<!tpu.dma_semaphore, #tpu.memory_space<semaphore_mem>>) src(%dma_wait3A_121 : memref<16x128xf32, #tpu.memory_space<hbm>>) dst(%dma_wait3A_118 : memref<16x128xf32, #tpu.memory_space<vmem_shared>>)
        tpu.yield
      }) : () -> ()
    } else {
    }
    %barrier3A = arith.constant 0 : index
    tpu.barrier barrier_id(%barrier3A)
    %dma_start3A = arith.constant 0 : i32
    %dma_start3A_17 = tpu.memref_slice %arg5[%dma_start3A] : memref<5120xi32, #tpu.memory_space<vmem>> -> memref<128xi32, #tpu.memory_space<vmem>>
    %dma_start3A_18 = arith.constant 0 : i32
    %dma_start3A_19 = arith.constant 0 : i32
    %dma_start3A_20 = tpu.memref_slice %arg2[%dma_start3A_18, %dma_start3A_19] : memref<10000x128xf32, #tpu.memory_space<hbm>> -> memref<10000x128xf32, #tpu.memory_space<hbm>>
    tpu.enqueue_indirect_dma source(%dma_start3A_20 : memref<10000x128xf32, #tpu.memory_space<hbm>>) target(%arg7 : memref<128x128xf32, #tpu.memory_space<vmem>>) offsets(%dma_start3A_17 : memref<128xi32, #tpu.memory_space<vmem>>) semaphore(%arg11 : memref<!tpu.dma_semaphore, #tpu.memory_space<semaphore_mem>>)
    %dma_start3A_21 = arith.constant 128 : i32
    %dma_start3A_22 = tpu.memref_slice %arg5[%dma_start3A_21] : memref<5120xi32, #tpu.memory_space<vmem>> -> memref<128xi32, #tpu.memory_space<vmem>>
    %dma_start3A_23 = arith.constant 0 : i32
    %dma_start3A_24 = arith.constant 0 : i32
    %dma_start3A_25 = tpu.memref_slice %arg2[%dma_start3A_23, %dma_start3A_24] : memref<10000x128xf32, #tpu.memory_space<hbm>> -> memref<10000x128xf32, #tpu.memory_space<hbm>>
    tpu.enqueue_indirect_dma source(%dma_start3A_25 : memref<10000x128xf32, #tpu.memory_space<hbm>>) target(%arg8 : memref<128x128xf32, #tpu.memory_space<vmem>>) offsets(%dma_start3A_22 : memref<128xi32, #tpu.memory_space<vmem>>) semaphore(%arg12 : memref<!tpu.dma_semaphore, #tpu.memory_space<semaphore_mem>>)
    %scan3A = arith.constant 0 : i32
    %scan3A_26 = arith.constant 0 : i32
    %scan3A_27 = arith.constant 20 : i32
    %scan3A_28 = arith.addi %scan3A_26, %scan3A_27 : i32
    %scan3A_29 = arith.constant 1 : i32
    scf.for %scan3A_110 = %scan3A_26 to %scan3A_28 step %scan3A_29  : i32 {
      %mul3A_111 = arith.constant 2 : i32
      %mul3A_112 = arith.muli %scan3A_110, %mul3A_111 : i32
      %mul3A_113 = arith.constant 128 : i32
      %mul3A_114 = arith.muli %mul3A_112, %mul3A_113 : i32
      %add3A_115 = arith.constant 0 : i32
      %add3A_116 = arith.addi %add3A_115, %mul3A_114 : i32
      %dma_wait3A_117 = arith.constant 0 : i32
      %dma_wait3A_118 = arith.constant 0 : i32
      %dma_wait3A_119 = tpu.memref_slice %arg2[%dma_wait3A_117, %dma_wait3A_118] : memref<10000x128xf32, #tpu.memory_space<hbm>> -> memref<128x128xf32, #tpu.memory_space<hbm>>
      %dma_wait3A_120 = arith.constant 0 : i32
      %dma_wait3A_121 = arith.constant 0 : i32
      %dma_wait3A_122 = tpu.memref_slice %arg2[%dma_wait3A_120, %dma_wait3A_121] : memref<10000x128xf32, #tpu.memory_space<hbm>> -> memref<128x128xf32, #tpu.memory_space<hbm>>
      tpu.wait_dma2 semaphore(%arg11 : memref<!tpu.dma_semaphore, #tpu.memory_space<semaphore_mem>>) src(%dma_wait3A_122 : memref<128x128xf32, #tpu.memory_space<hbm>>) dst(%arg7 : memref<128x128xf32, #tpu.memory_space<vmem>>)
      %add3A_123 = arith.constant 0 : i32
      %add3A_124 = arith.addi %add3A_116, %add3A_123 : i32
      %dma_start3A_125 = tpu.memref_slice %arg6[%add3A_124] : memref<5120xi32, #tpu.memory_space<vmem>> -> memref<128xi32, #tpu.memory_space<vmem>>
      %dma_start3A_126 = arith.constant 0 : i32
      %dma_start3A_127 = arith.constant 0 : i32
      %dma_start3A_128 = tpu.memref_slice %arg10[%dma_start3A_126, %dma_start3A_127] : memref<10000x128xf32, #tpu.memory_space<vmem_shared>> -> memref<10000x128xf32, #tpu.memory_space<vmem_shared>>
      tpu.enqueue_indirect_dma source(%arg7 : memref<128x128xf32, #tpu.memory_space<vmem>>) target(%dma_start3A_128 : memref<10000x128xf32, #tpu.memory_space<vmem_shared>>) offsets(%dma_start3A_125 : memref<128xi32, #tpu.memory_space<vmem>>) semaphore(%arg13 : memref<!tpu.dma_semaphore, #tpu.memory_space<semaphore_mem>>) {add = true}
      %dma_wait3A_129 = arith.constant 0 : i32
      %dma_wait3A_130 = arith.constant 0 : i32
      %dma_wait3A_131 = tpu.memref_slice %arg2[%dma_wait3A_129, %dma_wait3A_130] : memref<10000x128xf32, #tpu.memory_space<hbm>> -> memref<128x128xf32, #tpu.memory_space<hbm>>
      %dma_wait3A_132 = arith.constant 0 : i32
      %dma_wait3A_133 = arith.constant 0 : i32
      %dma_wait3A_134 = tpu.memref_slice %arg2[%dma_wait3A_132, %dma_wait3A_133] : memref<10000x128xf32, #tpu.memory_space<hbm>> -> memref<128x128xf32, #tpu.memory_space<hbm>>
      tpu.wait_dma2 semaphore(%arg12 : memref<!tpu.dma_semaphore, #tpu.memory_space<semaphore_mem>>) src(%dma_wait3A_134 : memref<128x128xf32, #tpu.memory_space<hbm>>) dst(%arg8 : memref<128x128xf32, #tpu.memory_space<vmem>>)
      %add3A_135 = arith.constant 128 : i32
      %add3A_136 = arith.addi %add3A_116, %add3A_135 : i32
      %dma_start3A_137 = tpu.memref_slice %arg6[%add3A_136] : memref<5120xi32, #tpu.memory_space<vmem>> -> memref<128xi32, #tpu.memory_space<vmem>>
      %dma_start3A_138 = arith.constant 0 : i32
      %dma_start3A_139 = arith.constant 0 : i32
      %dma_start3A_140 = tpu.memref_slice %arg10[%dma_start3A_138, %dma_start3A_139] : memref<10000x128xf32, #tpu.memory_space<vmem_shared>> -> memref<10000x128xf32, #tpu.memory_space<vmem_shared>>
      tpu.enqueue_indirect_dma source(%arg8 : memref<128x128xf32, #tpu.memory_space<vmem>>) target(%dma_start3A_140 : memref<10000x128xf32, #tpu.memory_space<vmem_shared>>) offsets(%dma_start3A_137 : memref<128xi32, #tpu.memory_space<vmem>>) semaphore(%arg14 : memref<!tpu.dma_semaphore, #tpu.memory_space<semaphore_mem>>) {add = true}
      %lt3A = arith.constant 19 : i32
      %lt3A_141 = arith.cmpi slt, %scan3A_110, %lt3A : i32
      %convert_element_type3A_142 = arith.extui %lt3A_141 : i1 to i32
      %cond3A_143 = arith.constant 0 : i32
      %cond3A_144 = arith.cmpi ne, %convert_element_type3A_142, %cond3A_143 : i32
      scf.if %cond3A_144 {
        %dma_wait3A_145 = arith.constant 0 : i32
        %dma_wait3A_146 = arith.constant 0 : i32
        %dma_wait3A_147 = tpu.memref_slice %arg2[%dma_wait3A_145, %dma_wait3A_146] : memref<10000x128xf32, #tpu.memory_space<hbm>> -> memref<128x128xf32, #tpu.memory_space<hbm>>
        %dma_wait3A_148 = arith.constant 0 : i32
        %dma_wait3A_149 = arith.constant 0 : i32
        %dma_wait3A_150 = tpu.memref_slice %arg2[%dma_wait3A_148, %dma_wait3A_149] : memref<10000x128xf32, #tpu.memory_space<hbm>> -> memref<128x128xf32, #tpu.memory_space<hbm>>
        tpu.wait_dma2 semaphore(%arg13 : memref<!tpu.dma_semaphore, #tpu.memory_space<semaphore_mem>>) src(%dma_wait3A_150 : memref<128x128xf32, #tpu.memory_space<hbm>>) dst(%arg7 : memref<128x128xf32, #tpu.memory_space<vmem>>)
        %add3A_151 = arith.constant 256 : i32
        %add3A_152 = arith.addi %add3A_116, %add3A_151 : i32
        %dma_start3A_153 = tpu.memref_slice %arg5[%add3A_152] : memref<5120xi32, #tpu.memory_space<vmem>> -> memref<128xi32, #tpu.memory_space<vmem>>
        %dma_start3A_154 = arith.constant 0 : i32
        %dma_start3A_155 = arith.constant 0 : i32
        %dma_start3A_156 = tpu.memref_slice %arg2[%dma_start3A_154, %dma_start3A_155] : memref<10000x128xf32, #tpu.memory_space<hbm>> -> memref<10000x128xf32, #tpu.memory_space<hbm>>
        tpu.enqueue_indirect_dma source(%dma_start3A_156 : memref<10000x128xf32, #tpu.memory_space<hbm>>) target(%arg7 : memref<128x128xf32, #tpu.memory_space<vmem>>) offsets(%dma_start3A_153 : memref<128xi32, #tpu.memory_space<vmem>>) semaphore(%arg11 : memref<!tpu.dma_semaphore, #tpu.memory_space<semaphore_mem>>)
        %dma_wait3A_157 = arith.constant 0 : i32
        %dma_wait3A_158 = arith.constant 0 : i32
        %dma_wait3A_159 = tpu.memref_slice %arg2[%dma_wait3A_157, %dma_wait3A_158] : memref<10000x128xf32, #tpu.memory_space<hbm>> -> memref<128x128xf32, #tpu.memory_space<hbm>>
        %dma_wait3A_160 = arith.constant 0 : i32
        %dma_wait3A_161 = arith.constant 0 : i32
        %dma_wait3A_162 = tpu.memref_slice %arg2[%dma_wait3A_160, %dma_wait3A_161] : memref<10000x128xf32, #tpu.memory_space<hbm>> -> memref<128x128xf32, #tpu.memory_space<hbm>>
        tpu.wait_dma2 semaphore(%arg14 : memref<!tpu.dma_semaphore, #tpu.memory_space<semaphore_mem>>) src(%dma_wait3A_162 : memref<128x128xf32, #tpu.memory_space<hbm>>) dst(%arg8 : memref<128x128xf32, #tpu.memory_space<vmem>>)
        %add3A_163 = arith.constant 384 : i32
        %add3A_164 = arith.addi %add3A_116, %add3A_163 : i32
        %dma_start3A_165 = tpu.memref_slice %arg5[%add3A_164] : memref<5120xi32, #tpu.memory_space<vmem>> -> memref<128xi32, #tpu.memory_space<vmem>>
        %dma_start3A_166 = arith.constant 0 : i32
        %dma_start3A_167 = arith.constant 0 : i32
        %dma_start3A_168 = tpu.memref_slice %arg2[%dma_start3A_166, %dma_start3A_167] : memref<10000x128xf32, #tpu.memory_space<hbm>> -> memref<10000x128xf32, #tpu.memory_space<hbm>>
        tpu.enqueue_indirect_dma source(%dma_start3A_168 : memref<10000x128xf32, #tpu.memory_space<hbm>>) target(%arg8 : memref<128x128xf32, #tpu.memory_space<vmem>>) offsets(%dma_start3A_165 : memref<128xi32, #tpu.memory_space<vmem>>) semaphore(%arg12 : memref<!tpu.dma_semaphore, #tpu.memory_space<semaphore_mem>>)
      } else {
      }
    }
    %scan3A_30 = arith.constant 20 : i32
    %dma_wait3A = arith.constant 0 : i32
    %dma_wait3A_31 = arith.constant 0 : i32
    %dma_wait3A_32 = tpu.memref_slice %arg2[%dma_wait3A, %dma_wait3A_31] : memref<10000x128xf32, #tpu.memory_space<hbm>> -> memref<128x128xf32, #tpu.memory_space<hbm>>
    %dma_wait3A_33 = arith.constant 0 : i32
    %dma_wait3A_34 = arith.constant 0 : i32
    %dma_wait3A_35 = tpu.memref_slice %arg2[%dma_wait3A_33, %dma_wait3A_34] : memref<10000x128xf32, #tpu.memory_space<hbm>> -> memref<128x128xf32, #tpu.memory_space<hbm>>
    tpu.wait_dma2 semaphore(%arg13 : memref<!tpu.dma_semaphore, #tpu.memory_space<semaphore_mem>>) src(%dma_wait3A_35 : memref<128x128xf32, #tpu.memory_space<hbm>>) dst(%arg7 : memref<128x128xf32, #tpu.memory_space<vmem>>)
    %dma_wait3A_36 = arith.constant 0 : i32
    %dma_wait3A_37 = arith.constant 0 : i32
    %dma_wait3A_38 = tpu.memref_slice %arg2[%dma_wait3A_36, %dma_wait3A_37] : memref<10000x128xf32, #tpu.memory_space<hbm>> -> memref<128x128xf32, #tpu.memory_space<hbm>>
    %dma_wait3A_39 = arith.constant 0 : i32
    %dma_wait3A_40 = arith.constant 0 : i32
    %dma_wait3A_41 = tpu.memref_slice %arg2[%dma_wait3A_39, %dma_wait3A_40] : memref<10000x128xf32, #tpu.memory_space<hbm>> -> memref<128x128xf32, #tpu.memory_space<hbm>>
    tpu.wait_dma2 semaphore(%arg14 : memref<!tpu.dma_semaphore, #tpu.memory_space<semaphore_mem>>) src(%dma_wait3A_41 : memref<128x128xf32, #tpu.memory_space<hbm>>) dst(%arg8 : memref<128x128xf32, #tpu.memory_space<vmem>>)
    %mul3A_42 = arith.constant 10000 : i32
    %mul3A_43 = arith.muli %add3A, %mul3A_42 : i32
    %add3A_44 = arith.constant 4880 : i32
    %add3A_45 = arith.addi %mul3A_43, %add3A_44 : i32
    "tpu.region"() ({
      %run_scoped3A = tpu.sem_alloc : memref<!tpu.dma_semaphore, #tpu.memory_space<semaphore_mem>>
      %dma_start3A_110 = tpu.memref_slice %arg3[%add3A_45] : memref<640000xi32, #tpu.memory_space<hbm>> -> memref<5120xi32, #tpu.memory_space<hbm>>
      %dma_start3A_111 = tpu.memref_slice %arg3[%add3A_45] : memref<640000xi32, #tpu.memory_space<hbm>> -> memref<5120xi32, #tpu.memory_space<hbm>>
      tpu.enqueue_dma source(%dma_start3A_111 : memref<5120xi32, #tpu.memory_space<hbm>>) target(%arg5 : memref<5120xi32, #tpu.memory_space<vmem>>) target_semaphore(%run_scoped3A : memref<!tpu.dma_semaphore, #tpu.memory_space<semaphore_mem>>)
      %dma_wait3A_112 = tpu.memref_slice %arg3[%add3A_45] : memref<640000xi32, #tpu.memory_space<hbm>> -> memref<5120xi32, #tpu.memory_space<hbm>>
      %dma_wait3A_113 = tpu.memref_slice %arg3[%add3A_45] : memref<640000xi32, #tpu.memory_space<hbm>> -> memref<5120xi32, #tpu.memory_space<hbm>>
      tpu.wait_dma2 semaphore(%run_scoped3A : memref<!tpu.dma_semaphore, #tpu.memory_space<semaphore_mem>>) src(%dma_wait3A_113 : memref<5120xi32, #tpu.memory_space<hbm>>) dst(%arg5 : memref<5120xi32, #tpu.memory_space<vmem>>)
      tpu.yield
    }) : () -> ()
    %mul3A_46 = arith.constant 10000 : i32
    %mul3A_47 = arith.muli %add3A, %mul3A_46 : i32
    %add3A_48 = arith.constant 320000 : i32
    %add3A_49 = arith.addi %add3A_48, %mul3A_47 : i32
    %add3A_50 = arith.constant 4880 : i32
    %add3A_51 = arith.addi %add3A_49, %add3A_50 : i32
    "tpu.region"() ({
      %run_scoped3A = tpu.sem_alloc : memref<!tpu.dma_semaphore, #tpu.memory_space<semaphore_mem>>
      %dma_start3A_110 = tpu.memref_slice %arg3[%add3A_51] : memref<640000xi32, #tpu.memory_space<hbm>> -> memref<5120xi32, #tpu.memory_space<hbm>>
      %dma_start3A_111 = tpu.memref_slice %arg3[%add3A_51] : memref<640000xi32, #tpu.memory_space<hbm>> -> memref<5120xi32, #tpu.memory_space<hbm>>
      tpu.enqueue_dma source(%dma_start3A_111 : memref<5120xi32, #tpu.memory_space<hbm>>) target(%arg6 : memref<5120xi32, #tpu.memory_space<vmem>>) target_semaphore(%run_scoped3A : memref<!tpu.dma_semaphore, #tpu.memory_space<semaphore_mem>>)
      %dma_wait3A_112 = tpu.memref_slice %arg3[%add3A_51] : memref<640000xi32, #tpu.memory_space<hbm>> -> memref<5120xi32, #tpu.memory_space<hbm>>
      %dma_wait3A_113 = tpu.memref_slice %arg3[%add3A_51] : memref<640000xi32, #tpu.memory_space<hbm>> -> memref<5120xi32, #tpu.memory_space<hbm>>
      tpu.wait_dma2 semaphore(%run_scoped3A : memref<!tpu.dma_semaphore, #tpu.memory_space<semaphore_mem>>) src(%dma_wait3A_113 : memref<5120xi32, #tpu.memory_space<hbm>>) dst(%arg6 : memref<5120xi32, #tpu.memory_space<vmem>>)
      tpu.yield
    }) : () -> ()
    %dma_start3A_52 = arith.constant 240 : i32
    %dma_start3A_53 = tpu.memref_slice %arg5[%dma_start3A_52] : memref<5120xi32, #tpu.memory_space<vmem>> -> memref<128xi32, #tpu.memory_space<vmem>>
    %dma_start3A_54 = arith.constant 0 : i32
    %dma_start3A_55 = arith.constant 0 : i32
    %dma_start3A_56 = tpu.memref_slice %arg2[%dma_start3A_54, %dma_start3A_55] : memref<10000x128xf32, #tpu.memory_space<hbm>> -> memref<10000x128xf32, #tpu.memory_space<hbm>>
    tpu.enqueue_indirect_dma source(%dma_start3A_56 : memref<10000x128xf32, #tpu.memory_space<hbm>>) target(%arg7 : memref<128x128xf32, #tpu.memory_space<vmem>>) offsets(%dma_start3A_53 : memref<128xi32, #tpu.memory_space<vmem>>) semaphore(%arg11 : memref<!tpu.dma_semaphore, #tpu.memory_space<semaphore_mem>>)
    %dma_start3A_57 = arith.constant 368 : i32
    %dma_start3A_58 = tpu.memref_slice %arg5[%dma_start3A_57] : memref<5120xi32, #tpu.memory_space<vmem>> -> memref<128xi32, #tpu.memory_space<vmem>>
    %dma_start3A_59 = arith.constant 0 : i32
    %dma_start3A_60 = arith.constant 0 : i32
    %dma_start3A_61 = tpu.memref_slice %arg2[%dma_start3A_59, %dma_start3A_60] : memref<10000x128xf32, #tpu.memory_space<hbm>> -> memref<10000x128xf32, #tpu.memory_space<hbm>>
    tpu.enqueue_indirect_dma source(%dma_start3A_61 : memref<10000x128xf32, #tpu.memory_space<hbm>>) target(%arg8 : memref<128x128xf32, #tpu.memory_space<vmem>>) offsets(%dma_start3A_58 : memref<128xi32, #tpu.memory_space<vmem>>) semaphore(%arg12 : memref<!tpu.dma_semaphore, #tpu.memory_space<semaphore_mem>>)
    %scan3A_62 = arith.constant 0 : i32
    %scan3A_63 = arith.constant 0 : i32
    %scan3A_64 = arith.constant 19 : i32
    %scan3A_65 = arith.addi %scan3A_63, %scan3A_64 : i32
    %scan3A_66 = arith.constant 1 : i32
    scf.for %scan3A_110 = %scan3A_63 to %scan3A_65 step %scan3A_66  : i32 {
      %mul3A_111 = arith.constant 2 : i32
      %mul3A_112 = arith.muli %scan3A_110, %mul3A_111 : i32
      %mul3A_113 = arith.constant 128 : i32
      %mul3A_114 = arith.muli %mul3A_112, %mul3A_113 : i32
      %add3A_115 = arith.constant 240 : i32
      %add3A_116 = arith.addi %add3A_115, %mul3A_114 : i32
      %dma_wait3A_117 = arith.constant 0 : i32
      %dma_wait3A_118 = arith.constant 0 : i32
      %dma_wait3A_119 = tpu.memref_slice %arg2[%dma_wait3A_117, %dma_wait3A_118] : memref<10000x128xf32, #tpu.memory_space<hbm>> -> memref<128x128xf32, #tpu.memory_space<hbm>>
      %dma_wait3A_120 = arith.constant 0 : i32
      %dma_wait3A_121 = arith.constant 0 : i32
      %dma_wait3A_122 = tpu.memref_slice %arg2[%dma_wait3A_120, %dma_wait3A_121] : memref<10000x128xf32, #tpu.memory_space<hbm>> -> memref<128x128xf32, #tpu.memory_space<hbm>>
      tpu.wait_dma2 semaphore(%arg11 : memref<!tpu.dma_semaphore, #tpu.memory_space<semaphore_mem>>) src(%dma_wait3A_122 : memref<128x128xf32, #tpu.memory_space<hbm>>) dst(%arg7 : memref<128x128xf32, #tpu.memory_space<vmem>>)
      %add3A_123 = arith.constant 0 : i32
      %add3A_124 = arith.addi %add3A_116, %add3A_123 : i32
      %dma_start3A_125 = tpu.memref_slice %arg6[%add3A_124] : memref<5120xi32, #tpu.memory_space<vmem>> -> memref<128xi32, #tpu.memory_space<vmem>>
      %dma_start3A_126 = arith.constant 0 : i32
      %dma_start3A_127 = arith.constant 0 : i32
      %dma_start3A_128 = tpu.memref_slice %arg10[%dma_start3A_126, %dma_start3A_127] : memref<10000x128xf32, #tpu.memory_space<vmem_shared>> -> memref<10000x128xf32, #tpu.memory_space<vmem_shared>>
      tpu.enqueue_indirect_dma source(%arg7 : memref<128x128xf32, #tpu.memory_space<vmem>>) target(%dma_start3A_128 : memref<10000x128xf32, #tpu.memory_space<vmem_shared>>) offsets(%dma_start3A_125 : memref<128xi32, #tpu.memory_space<vmem>>) semaphore(%arg13 : memref<!tpu.dma_semaphore, #tpu.memory_space<semaphore_mem>>) {add = true}
      %dma_wait3A_129 = arith.constant 0 : i32
      %dma_wait3A_130 = arith.constant 0 : i32
      %dma_wait3A_131 = tpu.memref_slice %arg2[%dma_wait3A_129, %dma_wait3A_130] : memref<10000x128xf32, #tpu.memory_space<hbm>> -> memref<128x128xf32, #tpu.memory_space<hbm>>
      %dma_wait3A_132 = arith.constant 0 : i32
      %dma_wait3A_133 = arith.constant 0 : i32
      %dma_wait3A_134 = tpu.memref_slice %arg2[%dma_wait3A_132, %dma_wait3A_133] : memref<10000x128xf32, #tpu.memory_space<hbm>> -> memref<128x128xf32, #tpu.memory_space<hbm>>
      tpu.wait_dma2 semaphore(%arg12 : memref<!tpu.dma_semaphore, #tpu.memory_space<semaphore_mem>>) src(%dma_wait3A_134 : memref<128x128xf32, #tpu.memory_space<hbm>>) dst(%arg8 : memref<128x128xf32, #tpu.memory_space<vmem>>)
      %add3A_135 = arith.constant 128 : i32
      %add3A_136 = arith.addi %add3A_116, %add3A_135 : i32
      %dma_start3A_137 = tpu.memref_slice %arg6[%add3A_136] : memref<5120xi32, #tpu.memory_space<vmem>> -> memref<128xi32, #tpu.memory_space<vmem>>
      %dma_start3A_138 = arith.constant 0 : i32
      %dma_start3A_139 = arith.constant 0 : i32
      %dma_start3A_140 = tpu.memref_slice %arg10[%dma_start3A_138, %dma_start3A_139] : memref<10000x128xf32, #tpu.memory_space<vmem_shared>> -> memref<10000x128xf32, #tpu.memory_space<vmem_shared>>
      tpu.enqueue_indirect_dma source(%arg8 : memref<128x128xf32, #tpu.memory_space<vmem>>) target(%dma_start3A_140 : memref<10000x128xf32, #tpu.memory_space<vmem_shared>>) offsets(%dma_start3A_137 : memref<128xi32, #tpu.memory_space<vmem>>) semaphore(%arg14 : memref<!tpu.dma_semaphore, #tpu.memory_space<semaphore_mem>>) {add = true}
      %lt3A = arith.constant 18 : i32
      %lt3A_141 = arith.cmpi slt, %scan3A_110, %lt3A : i32
      %convert_element_type3A_142 = arith.extui %lt3A_141 : i1 to i32
      %cond3A_143 = arith.constant 0 : i32
      %cond3A_144 = arith.cmpi ne, %convert_element_type3A_142, %cond3A_143 : i32
      scf.if %cond3A_144 {
        %dma_wait3A_145 = arith.constant 0 : i32
        %dma_wait3A_146 = arith.constant 0 : i32
        %dma_wait3A_147 = tpu.memref_slice %arg2[%dma_wait3A_145, %dma_wait3A_146] : memref<10000x128xf32, #tpu.memory_space<hbm>> -> memref<128x128xf32, #tpu.memory_space<hbm>>
        %dma_wait3A_148 = arith.constant 0 : i32
        %dma_wait3A_149 = arith.constant 0 : i32
        %dma_wait3A_150 = tpu.memref_slice %arg2[%dma_wait3A_148, %dma_wait3A_149] : memref<10000x128xf32, #tpu.memory_space<hbm>> -> memref<128x128xf32, #tpu.memory_space<hbm>>
        tpu.wait_dma2 semaphore(%arg13 : memref<!tpu.dma_semaphore, #tpu.memory_space<semaphore_mem>>) src(%dma_wait3A_150 : memref<128x128xf32, #tpu.memory_space<hbm>>) dst(%arg7 : memref<128x128xf32, #tpu.memory_space<vmem>>)
        %add3A_151 = arith.constant 256 : i32
        %add3A_152 = arith.addi %add3A_116, %add3A_151 : i32
        %dma_start3A_153 = tpu.memref_slice %arg5[%add3A_152] : memref<5120xi32, #tpu.memory_space<vmem>> -> memref<128xi32, #tpu.memory_space<vmem>>
        %dma_start3A_154 = arith.constant 0 : i32
        %dma_start3A_155 = arith.constant 0 : i32
        %dma_start3A_156 = tpu.memref_slice %arg2[%dma_start3A_154, %dma_start3A_155] : memref<10000x128xf32, #tpu.memory_space<hbm>> -> memref<10000x128xf32, #tpu.memory_space<hbm>>
        tpu.enqueue_indirect_dma source(%dma_start3A_156 : memref<10000x128xf32, #tpu.memory_space<hbm>>) target(%arg7 : memref<128x128xf32, #tpu.memory_space<vmem>>) offsets(%dma_start3A_153 : memref<128xi32, #tpu.memory_space<vmem>>) semaphore(%arg11 : memref<!tpu.dma_semaphore, #tpu.memory_space<semaphore_mem>>)
        %dma_wait3A_157 = arith.constant 0 : i32
        %dma_wait3A_158 = arith.constant 0 : i32
        %dma_wait3A_159 = tpu.memref_slice %arg2[%dma_wait3A_157, %dma_wait3A_158] : memref<10000x128xf32, #tpu.memory_space<hbm>> -> memref<128x128xf32, #tpu.memory_space<hbm>>
        %dma_wait3A_160 = arith.constant 0 : i32
        %dma_wait3A_161 = arith.constant 0 : i32
        %dma_wait3A_162 = tpu.memref_slice %arg2[%dma_wait3A_160, %dma_wait3A_161] : memref<10000x128xf32, #tpu.memory_space<hbm>> -> memref<128x128xf32, #tpu.memory_space<hbm>>
        tpu.wait_dma2 semaphore(%arg14 : memref<!tpu.dma_semaphore, #tpu.memory_space<semaphore_mem>>) src(%dma_wait3A_162 : memref<128x128xf32, #tpu.memory_space<hbm>>) dst(%arg8 : memref<128x128xf32, #tpu.memory_space<vmem>>)
        %add3A_163 = arith.constant 384 : i32
        %add3A_164 = arith.addi %add3A_116, %add3A_163 : i32
        %dma_start3A_165 = tpu.memref_slice %arg5[%add3A_164] : memref<5120xi32, #tpu.memory_space<vmem>> -> memref<128xi32, #tpu.memory_space<vmem>>
        %dma_start3A_166 = arith.constant 0 : i32
        %dma_start3A_167 = arith.constant 0 : i32
        %dma_start3A_168 = tpu.memref_slice %arg2[%dma_start3A_166, %dma_start3A_167] : memref<10000x128xf32, #tpu.memory_space<hbm>> -> memref<10000x128xf32, #tpu.memory_space<hbm>>
        tpu.enqueue_indirect_dma source(%dma_start3A_168 : memref<10000x128xf32, #tpu.memory_space<hbm>>) target(%arg8 : memref<128x128xf32, #tpu.memory_space<vmem>>) offsets(%dma_start3A_165 : memref<128xi32, #tpu.memory_space<vmem>>) semaphore(%arg12 : memref<!tpu.dma_semaphore, #tpu.memory_space<semaphore_mem>>)
      } else {
      }
    }
    %scan3A_67 = arith.constant 19 : i32
    %dma_wait3A_68 = arith.constant 0 : i32
    %dma_wait3A_69 = arith.constant 0 : i32
    %dma_wait3A_70 = tpu.memref_slice %arg2[%dma_wait3A_68, %dma_wait3A_69] : memref<10000x128xf32, #tpu.memory_space<hbm>> -> memref<128x128xf32, #tpu.memory_space<hbm>>
    %dma_wait3A_71 = arith.constant 0 : i32
    %dma_wait3A_72 = arith.constant 0 : i32
    %dma_wait3A_73 = tpu.memref_slice %arg2[%dma_wait3A_71, %dma_wait3A_72] : memref<10000x128xf32, #tpu.memory_space<hbm>> -> memref<128x128xf32, #tpu.memory_space<hbm>>
    tpu.wait_dma2 semaphore(%arg13 : memref<!tpu.dma_semaphore, #tpu.memory_space<semaphore_mem>>) src(%dma_wait3A_73 : memref<128x128xf32, #tpu.memory_space<hbm>>) dst(%arg7 : memref<128x128xf32, #tpu.memory_space<vmem>>)
    %dma_wait3A_74 = arith.constant 0 : i32
    %dma_wait3A_75 = arith.constant 0 : i32
    %dma_wait3A_76 = tpu.memref_slice %arg2[%dma_wait3A_74, %dma_wait3A_75] : memref<10000x128xf32, #tpu.memory_space<hbm>> -> memref<128x128xf32, #tpu.memory_space<hbm>>
    %dma_wait3A_77 = arith.constant 0 : i32
    %dma_wait3A_78 = arith.constant 0 : i32
    %dma_wait3A_79 = tpu.memref_slice %arg2[%dma_wait3A_77, %dma_wait3A_78] : memref<10000x128xf32, #tpu.memory_space<hbm>> -> memref<128x128xf32, #tpu.memory_space<hbm>>
    tpu.wait_dma2 semaphore(%arg14 : memref<!tpu.dma_semaphore, #tpu.memory_space<semaphore_mem>>) src(%dma_wait3A_79 : memref<128x128xf32, #tpu.memory_space<hbm>>) dst(%arg8 : memref<128x128xf32, #tpu.memory_space<vmem>>)
    %dma_start3A_80 = arith.constant 5104 : i32
    %dma_start3A_81 = tpu.memref_slice %arg5[%dma_start3A_80] : memref<5120xi32, #tpu.memory_space<vmem>> -> memref<16xi32, #tpu.memory_space<vmem>>
    %dma_start3A_82 = arith.constant 0 : i32
    %dma_start3A_83 = arith.constant 0 : i32
    %dma_start3A_84 = tpu.memref_slice %arg2[%dma_start3A_82, %dma_start3A_83] : memref<10000x128xf32, #tpu.memory_space<hbm>> -> memref<10000x128xf32, #tpu.memory_space<hbm>>
    tpu.enqueue_indirect_dma source(%dma_start3A_84 : memref<10000x128xf32, #tpu.memory_space<hbm>>) target(%arg9 : memref<16x128xf32, #tpu.memory_space<vmem>>) offsets(%dma_start3A_81 : memref<16xi32, #tpu.memory_space<vmem>>) semaphore(%arg11 : memref<!tpu.dma_semaphore, #tpu.memory_space<semaphore_mem>>)
    %dma_wait3A_85 = arith.constant 5104 : i32
    %dma_wait3A_86 = tpu.memref_slice %arg5[%dma_wait3A_85] : memref<5120xi32, #tpu.memory_space<vmem>> -> memref<16xi32, #tpu.memory_space<vmem>>
    %dma_wait3A_87 = arith.constant 0 : i32
    %dma_wait3A_88 = arith.constant 0 : i32
    %dma_wait3A_89 = tpu.memref_slice %arg2[%dma_wait3A_87, %dma_wait3A_88] : memref<10000x128xf32, #tpu.memory_space<hbm>> -> memref<10000x128xf32, #tpu.memory_space<hbm>>
    tpu.wait_indirect_dma semaphore(%arg11 : memref<!tpu.dma_semaphore, #tpu.memory_space<semaphore_mem>>) src(%dma_wait3A_89 : memref<10000x128xf32, #tpu.memory_space<hbm>>) dst(%arg9 : memref<16x128xf32, #tpu.memory_space<vmem>>)
    %dma_start3A_90 = arith.constant 5104 : i32
    %dma_start3A_91 = tpu.memref_slice %arg6[%dma_start3A_90] : memref<5120xi32, #tpu.memory_space<vmem>> -> memref<16xi32, #tpu.memory_space<vmem>>
    %dma_start3A_92 = arith.constant 0 : i32
    %dma_start3A_93 = arith.constant 0 : i32
    %dma_start3A_94 = tpu.memref_slice %arg10[%dma_start3A_92, %dma_start3A_93] : memref<10000x128xf32, #tpu.memory_space<vmem_shared>> -> memref<10000x128xf32, #tpu.memory_space<vmem_shared>>
    tpu.enqueue_indirect_dma source(%arg9 : memref<16x128xf32, #tpu.memory_space<vmem>>) target(%dma_start3A_94 : memref<10000x128xf32, #tpu.memory_space<vmem_shared>>) offsets(%dma_start3A_91 : memref<16xi32, #tpu.memory_space<vmem>>) semaphore(%arg13 : memref<!tpu.dma_semaphore, #tpu.memory_space<semaphore_mem>>) {add = true}
    %dma_wait3A_95 = arith.constant 5104 : i32
    %dma_wait3A_96 = tpu.memref_slice %arg6[%dma_wait3A_95] : memref<5120xi32, #tpu.memory_space<vmem>> -> memref<16xi32, #tpu.memory_space<vmem>>
    %dma_wait3A_97 = arith.constant 0 : i32
    %dma_wait3A_98 = arith.constant 0 : i32
    %dma_wait3A_99 = tpu.memref_slice %arg10[%dma_wait3A_97, %dma_wait3A_98] : memref<10000x128xf32, #tpu.memory_space<vmem_shared>> -> memref<10000x128xf32, #tpu.memory_space<vmem_shared>>
    tpu.wait_indirect_dma semaphore(%arg13 : memref<!tpu.dma_semaphore, #tpu.memory_space<semaphore_mem>>) src(%arg9 : memref<16x128xf32, #tpu.memory_space<vmem>>) dst(%dma_wait3A_99 : memref<10000x128xf32, #tpu.memory_space<vmem_shared>>)
    %barrier3A_100 = arith.constant 0 : index
    tpu.barrier barrier_id(%barrier3A_100)
    %mul3A_101 = arith.constant 624 : i32
    %mul3A_102 = arith.muli %arg1, %mul3A_101 : i32
    %mul3A_103 = arith.constant 624 : i32
    %mul3A_104 = arith.muli %arg1, %mul3A_103 : i32
    "tpu.region"() ({
      %run_scoped3A = tpu.sem_alloc : memref<!tpu.dma_semaphore, #tpu.memory_space<semaphore_mem>>
      %dma_start3A_110 = arith.constant 0 : i32
      %dma_start3A_111 = tpu.memref_slice %arg4[%arg0, %mul3A_104, %dma_start3A_110] : memref<2x10000x128xf32, #tpu.memory_space<hbm>> -> memref<1x624x128xf32, #tpu.memory_space<hbm>>
      %dma_start3A_112 = tpu.memref_squeeze %dma_start3A_111 : memref<1x624x128xf32, #tpu.memory_space<hbm>> -> memref<624x128xf32, #tpu.memory_space<hbm>>
      %dma_start3A_113 = arith.constant 0 : i32
      %dma_start3A_114 = tpu.memref_slice %arg10[%mul3A_102, %dma_start3A_113] : memref<10000x128xf32, #tpu.memory_space<vmem_shared>> -> memref<624x128xf32, #tpu.memory_space<vmem_shared>>
      tpu.enqueue_dma source(%dma_start3A_114 : memref<624x128xf32, #tpu.memory_space<vmem_shared>>) target(%dma_start3A_112 : memref<624x128xf32, #tpu.memory_space<hbm>>) target_semaphore(%run_scoped3A : memref<!tpu.dma_semaphore, #tpu.memory_space<semaphore_mem>>)
      %dma_wait3A_115 = arith.constant 0 : i32
      %dma_wait3A_116 = tpu.memref_slice %arg4[%arg0, %mul3A_104, %dma_wait3A_115] : memref<2x10000x128xf32, #tpu.memory_space<hbm>> -> memref<1x624x128xf32, #tpu.memory_space<hbm>>
      %dma_wait3A_117 = tpu.memref_squeeze %dma_wait3A_116 : memref<1x624x128xf32, #tpu.memory_space<hbm>> -> memref<624x128xf32, #tpu.memory_space<hbm>>
      %dma_wait3A_118 = arith.constant 0 : i32
      %dma_wait3A_119 = tpu.memref_slice %arg10[%mul3A_102, %dma_wait3A_118] : memref<10000x128xf32, #tpu.memory_space<vmem_shared>> -> memref<624x128xf32, #tpu.memory_space<vmem_shared>>
      tpu.wait_dma2 semaphore(%run_scoped3A : memref<!tpu.dma_semaphore, #tpu.memory_space<semaphore_mem>>) src(%dma_wait3A_119 : memref<624x128xf32, #tpu.memory_space<vmem_shared>>) dst(%dma_wait3A_117 : memref<624x128xf32, #tpu.memory_space<hbm>>)
      tpu.yield
    }) : () -> ()
    %eq3A_105 = arith.constant 15 : i32
    %eq3A_106 = arith.cmpi eq, %arg1, %eq3A_105 : i32
    %convert_element_type3A_107 = arith.extui %eq3A_106 : i1 to i32
    %cond3A_108 = arith.constant 0 : i32
    %cond3A_109 = arith.cmpi ne, %convert_element_type3A_107, %cond3A_108 : i32
    scf.if %cond3A_109 {
      "tpu.region"() ({
        %run_scoped3A = tpu.sem_alloc : memref<!tpu.dma_semaphore, #tpu.memory_space<semaphore_mem>>
        %dma_start3A_110 = arith.constant 9984 : i32
        %dma_start3A_111 = arith.constant 0 : i32
        %dma_start3A_112 = tpu.memref_slice %arg4[%arg0, %dma_start3A_110, %dma_start3A_111] : memref<2x10000x128xf32, #tpu.memory_space<hbm>> -> memref<1x16x128xf32, #tpu.memory_space<hbm>>
        %dma_start3A_113 = tpu.memref_squeeze %dma_start3A_112 : memref<1x16x128xf32, #tpu.memory_space<hbm>> -> memref<16x128xf32, #tpu.memory_space<hbm>>
        %dma_start3A_114 = arith.constant 9984 : i32
        %dma_start3A_115 = arith.constant 0 : i32
        %dma_start3A_116 = tpu.memref_slice %arg10[%dma_start3A_114, %dma_start3A_115] : memref<10000x128xf32, #tpu.memory_space<vmem_shared>> -> memref<16x128xf32, #tpu.memory_space<vmem_shared>>
        tpu.enqueue_dma source(%dma_start3A_116 : memref<16x128xf32, #tpu.memory_space<vmem_shared>>) target(%dma_start3A_113 : memref<16x128xf32, #tpu.memory_space<hbm>>) target_semaphore(%run_scoped3A : memref<!tpu.dma_semaphore, #tpu.memory_space<semaphore_mem>>)
        %dma_wait3A_117 = arith.constant 9984 : i32
        %dma_wait3A_118 = arith.constant 0 : i32
        %dma_wait3A_119 = tpu.memref_slice %arg4[%arg0, %dma_wait3A_117, %dma_wait3A_118] : memref<2x10000x128xf32, #tpu.memory_space<hbm>> -> memref<1x16x128xf32, #tpu.memory_space<hbm>>
        %dma_wait3A_120 = tpu.memref_squeeze %dma_wait3A_119 : memref<1x16x128xf32, #tpu.memory_space<hbm>> -> memref<16x128xf32, #tpu.memory_space<hbm>>
        %dma_wait3A_121 = arith.constant 9984 : i32
        %dma_wait3A_122 = arith.constant 0 : i32
        %dma_wait3A_123 = tpu.memref_slice %arg10[%dma_wait3A_121, %dma_wait3A_122] : memref<10000x128xf32, #tpu.memory_space<vmem_shared>> -> memref<16x128xf32, #tpu.memory_space<vmem_shared>>
        tpu.wait_dma2 semaphore(%run_scoped3A : memref<!tpu.dma_semaphore, #tpu.memory_space<semaphore_mem>>) src(%dma_wait3A_123 : memref<16x128xf32, #tpu.memory_space<vmem_shared>>) dst(%dma_wait3A_120 : memref<16x128xf32, #tpu.memory_space<hbm>>)
        tpu.yield
      }) : () -> ()
    } else {
    }
    return
  }
}

module attributes {stable_mosaic.version = 14 : i64} {
  func.func @_combine_body(%arg0: i32, %arg1: memref<1x1000x128xf32, #tpu.memory_space<vmem>>, %arg2: memref<1x1000x128xf32, #tpu.memory_space<vmem>>, %arg3: memref<1000x128xf32, #tpu.memory_space<vmem>>, %arg4: memref<128x128xf32, #tpu.memory_space<vmem>>, %arg5: memref<1x128xf32, #tpu.memory_space<vmem>>, %arg6: memref<1000x128xf32, #tpu.memory_space<vmem>>) attributes {dimension_semantics = [#tpu.dimension_semantics<arbitrary>], iteration_bounds = array<i64: 10>, scalar_prefetch = 0 : i64, scratch_operands = 0 : i64, tpu.core_type = #tpu.core_type<tc>, window_params = [{transform_indices = @transform_0, window_bounds = array<i64: 1, 1000, 128>}, {transform_indices = @transform_1, window_bounds = array<i64: 1, 1000, 128>}, {transform_indices = @transform_2, window_bounds = array<i64: 1000, 128>}, {pipeline_mode = #tpu.pipeline_mode<synchronous>, transform_indices = @transform_3, window_bounds = array<i64: 128, 128>}, {pipeline_mode = #tpu.pipeline_mode<synchronous>, transform_indices = @transform_4, window_bounds = array<i64: 1, 128>}, {transform_indices = @transform_5, window_bounds = array<i64: 1000, 128>}]} {
    %get3A = arith.constant 0 : index
    %get3A_0 = arith.constant 0 : index
    %get3A_1 = arith.constant 0 : index
    %get3A_2 = vector.load %arg1[%get3A, %get3A_0, %get3A_1] : memref<1x1000x128xf32, #tpu.memory_space<vmem>>, vector<1x1000x128xf32>
    %get3A_3 = vector.shape_cast %get3A_2 : vector<1x1000x128xf32> to vector<1000x128xf32>
    %get3A_4 = arith.constant 0 : index
    %get3A_5 = arith.constant 0 : index
    %get3A_6 = arith.constant 0 : index
    %get3A_7 = vector.load %arg2[%get3A_4, %get3A_5, %get3A_6] : memref<1x1000x128xf32, #tpu.memory_space<vmem>>, vector<1x1000x128xf32>
    %get3A_8 = vector.shape_cast %get3A_7 : vector<1x1000x128xf32> to vector<1000x128xf32>
    %add3A = arith.addf %get3A_3, %get3A_8 : vector<1000x128xf32>
    %get3A_9 = arith.constant 0 : index
    %get3A_10 = arith.constant 0 : index
    %get3A_11 = vector.load %arg3[%get3A_9, %get3A_10] : memref<1000x128xf32, #tpu.memory_space<vmem>>, vector<1000x128xf32>
    %sub3A = arith.subf %add3A, %get3A_11 : vector<1000x128xf32>
    %max3A = arith.constant 0.000000e+00 : f32
    %max3A_12 = vector.broadcast %max3A : f32 to vector<1000x128xf32>
    %max3A_13 = arith.maximumf %sub3A, %max3A_12 : vector<1000x128xf32>
    %get3A_14 = arith.constant 0 : index
    %get3A_15 = arith.constant 0 : index
    %get3A_16 = vector.load %arg4[%get3A_14, %get3A_15] : memref<128x128xf32, #tpu.memory_space<vmem>>, vector<128x128xf32>
    %dot_general3A = arith.constant dense<0.000000e+00> : vector<1000x128xf32>
    %dot_general3A_17 = tpu.matmul %max3A_13, %get3A_16, %dot_general3A {dimension_numbers = #tpu.dot_dimension_numbers<[1], [1], [0], [0], [0, 0, 1, 0], [], []>, transpose_lhs_hint = false} : vector<1000x128xf32>, vector<128x128xf32>, vector<1000x128xf32> -> vector<1000x128xf32>
    %get3A_18 = arith.constant 0 : index
    %get3A_19 = arith.constant 0 : index
    %get3A_20 = vector.load %arg5[%get3A_18, %get3A_19] : memref<1x128xf32, #tpu.memory_space<vmem>>, vector<1x128xf32>
    %add3A_21 = vector.broadcast %get3A_20 : vector<1x128xf32> to vector<1000x128xf32>
    %add3A_22 = arith.addf %dot_general3A_17, %add3A_21 : vector<1000x128xf32>
    %swap3A = arith.constant 0 : index
    %swap3A_23 = arith.constant 0 : index
    %swap3A_24 = vector.load %arg6[%swap3A, %swap3A_23] : memref<1000x128xf32, #tpu.memory_space<vmem>>, vector<1000x128xf32>
    tpu.vector_store %arg6[%swap3A, %swap3A_23], %add3A_22 {strides = array<i32>} : memref<1000x128xf32, #tpu.memory_space<vmem>>, vector<1000x128xf32>,
    return
  }
  func.func @transform_0(%arg0: i32) -> (i32, i32, i32) {
    %c0_i32 = arith.constant 0 : i32
    %c0_i32_0 = arith.constant 0 : i32
    %c0_i32_1 = arith.constant 0 : i32
    return %c0_i32, %arg0, %c0_i32_0 : i32, i32, i32
  }
  func.func @transform_1(%arg0: i32) -> (i32, i32, i32) {
    %c1_i32 = arith.constant 1 : i32
    %c0_i32 = arith.constant 0 : i32
    %c0_i32_0 = arith.constant 0 : i32
    return %c1_i32, %arg0, %c0_i32 : i32, i32, i32
  }
  func.func @transform_2(%arg0: i32) -> (i32, i32) {
    %c0_i32 = arith.constant 0 : i32
    %c0_i32_0 = arith.constant 0 : i32
    return %arg0, %c0_i32 : i32, i32
  }
  func.func @transform_3(%arg0: i32) -> (i32, i32) {
    %c0_i32 = arith.constant 0 : i32
    %c0_i32_0 = arith.constant 0 : i32
    %c0_i32_1 = arith.constant 0 : i32
    return %c0_i32, %c0_i32_0 : i32, i32
  }
  func.func @transform_4(%arg0: i32) -> (i32, i32) {
    %c0_i32 = arith.constant 0 : i32
    %c0_i32_0 = arith.constant 0 : i32
    %c0_i32_1 = arith.constant 0 : i32
    return %c0_i32, %c0_i32_0 : i32, i32
  }
  func.func @transform_5(%arg0: i32) -> (i32, i32) {
    %c0_i32 = arith.constant 0 : i32
    %c0_i32_0 = arith.constant 0 : i32
    return %arg0, %c0_i32 : i32, i32
  }
}

module attributes {stable_mosaic.version = 14 : i64} {
  func.func @_linear_body(%arg0: i32, %arg1: memref<1000x128xf32, #tpu.memory_space<vmem>>, %arg2: memref<128x128xf32, #tpu.memory_space<vmem>>, %arg3: memref<1x128xf32, #tpu.memory_space<vmem>>, %arg4: memref<1000x128xf32, #tpu.memory_space<vmem>>) attributes {dimension_semantics = [#tpu.dimension_semantics<arbitrary>], iteration_bounds = array<i64: 10>, scalar_prefetch = 0 : i64, scratch_operands = 0 : i64, tpu.core_type = #tpu.core_type<tc>, window_params = [{transform_indices = @transform_0, window_bounds = array<i64: 1000, 128>}, {pipeline_mode = #tpu.pipeline_mode<synchronous>, transform_indices = @transform_1, window_bounds = array<i64: 128, 128>}, {pipeline_mode = #tpu.pipeline_mode<synchronous>, transform_indices = @transform_2, window_bounds = array<i64: 1, 128>}, {transform_indices = @transform_3, window_bounds = array<i64: 1000, 128>}]} {
    %get3A = arith.constant 0 : index
    %get3A_0 = arith.constant 0 : index
    %get3A_1 = vector.load %arg1[%get3A, %get3A_0] : memref<1000x128xf32, #tpu.memory_space<vmem>>, vector<1000x128xf32>
    %get3A_2 = arith.constant 0 : index
    %get3A_3 = arith.constant 0 : index
    %get3A_4 = vector.load %arg2[%get3A_2, %get3A_3] : memref<128x128xf32, #tpu.memory_space<vmem>>, vector<128x128xf32>
    %dot_general3A = arith.constant dense<0.000000e+00> : vector<1000x128xf32>
    %dot_general3A_5 = tpu.matmul %get3A_1, %get3A_4, %dot_general3A {dimension_numbers = #tpu.dot_dimension_numbers<[1], [1], [0], [0], [0, 0, 1, 0], [], []>, transpose_lhs_hint = false} : vector<1000x128xf32>, vector<128x128xf32>, vector<1000x128xf32> -> vector<1000x128xf32>
    %get3A_6 = arith.constant 0 : index
    %get3A_7 = arith.constant 0 : index
    %get3A_8 = vector.load %arg3[%get3A_6, %get3A_7] : memref<1x128xf32, #tpu.memory_space<vmem>>, vector<1x128xf32>
    %add3A = vector.broadcast %get3A_8 : vector<1x128xf32> to vector<1000x128xf32>
    %add3A_9 = arith.addf %dot_general3A_5, %add3A : vector<1000x128xf32>
    %swap3A = arith.constant 0 : index
    %swap3A_10 = arith.constant 0 : index
    %swap3A_11 = vector.load %arg4[%swap3A, %swap3A_10] : memref<1000x128xf32, #tpu.memory_space<vmem>>, vector<1000x128xf32>
    tpu.vector_store %arg4[%swap3A, %swap3A_10], %add3A_9 {strides = array<i32>} : memref<1000x128xf32, #tpu.memory_space<vmem>>, vector<1000x128xf32>,
    return
  }
  func.func @transform_0(%arg0: i32) -> (i32, i32) {
    %c0_i32 = arith.constant 0 : i32
    %c0_i32_0 = arith.constant 0 : i32
    return %arg0, %c0_i32 : i32, i32
  }
  func.func @transform_1(%arg0: i32) -> (i32, i32) {
    %c0_i32 = arith.constant 0 : i32
    %c0_i32_0 = arith.constant 0 : i32
    %c0_i32_1 = arith.constant 0 : i32
    return %c0_i32, %c0_i32_0 : i32, i32
  }
  func.func @transform_2(%arg0: i32) -> (i32, i32) {
    %c0_i32 = arith.constant 0 : i32
    %c0_i32_0 = arith.constant 0 : i32
    %c0_i32_1 = arith.constant 0 : i32
    return %c0_i32, %c0_i32_0 : i32, i32
  }
  func.func @transform_3(%arg0: i32) -> (i32, i32) {
    %c0_i32 = arith.constant 0 : i32
    %c0_i32_0 = arith.constant 0 : i32
    return %arg0, %c0_i32 : i32, i32
  }
}

</mosaic_0001>

<sc_bundles>
// kernel: kernel.5.cloned.1.call-start
scs
__scs_entry_jumppad:
0x0: {  	(pc) =	sbr.rel $0x88, $3  }
0x1: {  	(tag) =	ssettag $0x0;
	lr =	simm.s32 $0x1  }
0x2: {  	[smem:$0x3F9B] =	sst lr;
	_ =	strace $0xD0000000  }
0x3: {  	_ = 	snop  }
0x4: {  	_ = 	snop  }
0x5: {  	_ = 	snop  }
0x6: {  	_ = 	snop  }
0x7: {  	_ = 	snop  }
__scs_overlays_trampoline_lowered:
0x8: {  	[smem:$0x3FAA] =	sst s0  }
0x9: {  	[smem:$0x3FAB] =	sst s1  }
0xa: {  	[smem:$0x3FAC] =	sst s2  }
0xb: {  	[smem:$0x3FAD] =	sst s3  }
0xc: {  	[smem:$0x3FAE] =	sst s4  }
0xd: {  	[smem:$0x3FAF] =	sst s5  }
0xe: {  	[smem:$0x3FB0] =	sst s6  }
0xf: {  	[smem:$0x3FB1] =	sst s7  }
0x10: {  	[smem:$0x3FB2] =	sst s8  }
0x11: {  	[smem:$0x3FB3] =	sst s9;
	s0 =	simm.s32 @!p0 $0x0  }
0x12: {  	s1 =	sld [smem:$0x3F99];
	s0 =	simm.s32 @p0 $0x1  }
0x13: {  	[smem:$0x3FB4] =	sst s0;
	s0 =	simm.s32 @!p1 $0x0  }
0x14: {  	s2 =	sld [smem:$0x3F98];
	s0 =	simm.s32 @p1 $0x1  }
0x15: {  	[smem:$0x3FB5] =	sst s0;
	s0 =	simm.s32 @!p2 $0x0  }
0x16: {  	s3 =	sld [smem:$0x3FDB];
	s0 =	simm.s32 @p2 $0x1  }
0x17: {  	s4 =	simm.s32 $0x1BF5;
	[smem:$0x3FB7] =	sst s0  }
0x18: {  	s0 =	sld [smem:$0x3F9A];
	_ =	swait.ge [sflag:s4], $0x0  }
0x19: {  	s7 =	sld [smem:$0x3F9B]  }
0x1a: {  	s8 =	sadd.s32 $0xFFFFE003, lr  }
0x1b: {  	s9 =	sadd.s32 $0xFFFFFEF7, lr;
	s5 =	simm.s32 $0xFFFFFFFF;
	p2 =	slt.u32 s8, $0xFFFFF086  }
0x1c: {  	p1 =	slt.u32 s9, $0xF7A;
	s5 =	simm.s32 @!p2 $0x0  }
0x1d: {  	s5 =	simm.s32 @p1 $0x1;
	p0 =	seq.s32 s7, s2  }
0x1e: {  	s7 =	smul.u32 @!p0 $0xF7A, s2;
	p2 =	seq.s32 @!p0 s5, $0x0  }
0x1f: {  	s9 =	smul.u32 $0xF7A, s1;
	s8 =	simm.s32 @!p0 $0x1BF5;
	p2 =	por !p2, p0  }
0x20: {  	[sflag:s8] =	ssyncset.s32 @!p0 $0xFFFFF086;
	s6 =	sadd.s32 @!p0 s3, s7;
	s7 =	simm.s32 @!p0 $0x108  }
0x21: {  	s3 =	sadd.s32 s3, s9;
	s6 =	sadd.s32 @!p0 $0x88, s6;
	s7 =	simm.s32 @p2 $0x1082  }
0x22: {  	[simem:s7], [sflag:s8] =	dma.local @!p0 [hbm:s6], $0xF7A  }
0x23: {  	s9 =	sor.u32 $0xD0000000, s2;
	s6 =	simm.s32 $0x108;
	_ =	swait.ge @!p0 [sflag:s8], $0x0  }
0x24: {  	s3 =	sadd.s32 $0x88, s3;
	s6 =	simm.s32 @!p1 $0x1082;
	[sflag:s4] =	ssyncset.s32 $0xFFFFF086  }
0x25: {  	[simem:s6], [sflag:s4] =	dma.local [hbm:s3], $0xF7A  }
0x26: {  	[smem:$0x3F9B] =	sst s1;
	(tag) =	ssettag s2;
	_ =	strace s9  }
0x27: {  	s1 =	sld [smem:$0x3FAB]  }
0x28: {  	s2 =	sld [smem:$0x3FAC]  }
0x29: {  	s4 =	sld [smem:$0x3FAE]  }
0x2a: {  	p0 =	seq.s32 s5, $0x0;
	s5 =	sld [smem:$0x3FAF]  }
0x2b: {  	s6 =	sld [smem:$0x3FB0]  }
0x2c: {  	s7 =	sld [smem:$0x3FB1]  }
0x2d: {  	s3 =	simm.s32 $0x108;
	s8 =	sld [smem:$0x3FB2]  }
0x2e: {  	s3 =	simm.s32 @!p0 $0x1082;
	s9 =	sld [smem:$0x3FB3]  }
0x2f: {  	lr =	sadd.s32 s0, s3;
	s0 =	sld [smem:$0x3FAA]  }
0x30: {  	s3 =	sld [smem:$0x3FAD]  }
0x31: {  	[smem:$0x3FB6] =	sst s10  }
0x32: {  	s10 =	sld [smem:$0x3FB4];
	_ =	sdelay $0x3  }
0x33: {  	p0 =	seq.s32 s10, $0x1;
	s10 =	sld [smem:$0x3FB6];
	_ =	sdelay $0x3  }
0x34: {  	[smem:$0x3FB6] =	sst s10  }
0x35: {  	s10 =	sld [smem:$0x3FB5];
	_ =	sdelay $0x3  }
0x36: {  	p1 =	seq.s32 s10, $0x1;
	s10 =	sld [smem:$0x3FB6];
	_ =	sdelay $0x3  }
0x37: {  	[smem:$0x3FB6] =	sst s10  }
0x38: {  	s10 =	sld [smem:$0x3FB7]  }
0x39: {  	_ = 	snop;
	(pc) =	sbr.ind lr, $3  }
0x3a: {  	_ = 	snop  }
0x3b: {  	_ = 	snop  }
0x3c: {  	p2 =	seq.s32 s10, $0x1;
	s10 =	sld [smem:$0x3FB6]  }
0x3d: {  	_ =	shalt  }
0x3e: {  	_ =	shalt  }
0x3f: {  	_ =	shalt  }
0x40: {  	_ =	shalt  }
0x41: {  	_ =	shalt  }
0x42: {  	_ =	shalt  }
0x43: {  	_ =	shalt  }
0x44: {  	_ =	shalt  }
0x45: {  	_ =	shalt  }
0x46: {  	_ =	shalt  }
0x47: {  	_ =	shalt  }
0x48: {  	_ =	shalt  }
0x49: {  	_ =	shalt  }
0x4a: {  	_ =	shalt  }
0x4b: {  	_ =	shalt  }
0x4c: {  	_ =	shalt  }
0x4d: {  	_ =	shalt  }
0x4e: {  	_ =	shalt  }
0x4f: {  	_ =	shalt  }
0x50: {  	_ =	shalt  }
0x51: {  	_ =	shalt  }
0x52: {  	_ =	shalt  }
0x53: {  	_ =	shalt  }
0x54: {  	_ =	shalt  }
0x55: {  	_ =	shalt  }
0x56: {  	_ =	shalt  }
0x57: {  	_ =	shalt  }
0x58: {  	_ =	shalt  }
0x59: {  	_ =	shalt  }
0x5a: {  	_ =	shalt  }
0x5b: {  	_ =	shalt  }
0x5c: {  	_ =	shalt  }
0x5d: {  	_ =	shalt  }
0x5e: {  	_ =	shalt  }
0x5f: {  	_ =	shalt  }
0x60: {  	_ =	shalt  }
0x61: {  	_ =	shalt  }
0x62: {  	_ =	shalt  }
0x63: {  	_ =	shalt  }
0x64: {  	_ =	shalt  }
0x65: {  	_ =	shalt  }
0x66: {  	_ =	shalt  }
0x67: {  	_ =	shalt  }
0x68: {  	_ =	shalt  }
0x69: {  	_ =	shalt  }
0x6a: {  	_ =	shalt  }
0x6b: {  	_ =	shalt  }
0x6c: {  	_ =	shalt  }
0x6d: {  	_ =	shalt  }
0x6e: {  	_ =	shalt  }
0x6f: {  	_ =	shalt  }
0x70: {  	_ =	shalt  }
0x71: {  	_ =	shalt  }
0x72: {  	_ =	shalt  }
0x73: {  	_ =	shalt  }
0x74: {  	_ =	shalt  }
0x75: {  	_ =	shalt  }
0x76: {  	_ =	shalt  }
0x77: {  	_ =	shalt  }
0x78: {  	_ =	shalt  }
0x79: {  	_ =	shalt  }
0x7a: {  	_ =	shalt  }
0x7b: {  	_ =	shalt  }
0x7c: {  	_ =	shalt  }
0x7d: {  	_ =	shalt  }
0x7e: {  	_ =	shalt  }
0x7f: {  	_ =	shalt  }
0x80: {  	_ =	shalt  }
0x81: {  	_ =	shalt  }
0x82: {  	_ =	shalt  }
0x83: {  	_ =	shalt  }
0x84: {  	_ =	shalt  }
0x85: {  	_ =	shalt  }
0x86: {  	_ =	shalt  }
0x87: {  	_ =	shalt  }
.Lfunc_end0:
.L_simem_size_0:
called_computation_lowered:
.L_overlay_start_0:
0x88: {  	s2 =	sld [smem:$0x3FD9]  }
0x89: {  	s3 =	sld [smem:$0x3FFE];
	_ =	sdelay $0x1  }
0x8a: {  	s1 =	srdreg.scid  }
0x8b: {  	s0 =	sand.u32 $0x1, s1  }
0x8c: {  	s17 =	sshll.u32 s0, $0xA;
	s2 =	sadd.s32 s3, s2  }
0x8d: {  	s2 =	sadd.s32 s2, s17  }
0x8e: {  	[smem:$0x3FC2] =	sst s2  }
0x8f: {  	_ = 	snop  }
0x90: {  	s2 =	sld [smem:$0x3FD0];
	(tm) =	ssettm $0x1  }
0x91: {  	s18 =	sld [smem:$0x3FFB];
	_ =	sdelay $0x3  }
0x92: {  	_ =	strace s18  }
0x93: {  	s3 =	sld [smem:$0x3FFC];
	_ =	sdelay $0x3  }
0x94: {  	_ =	strace s3  }
0x95: {  	s3 =	sld [smem:$0x3FFD];
	_ =	sdelay $0x3  }
0x96: {  	_ =	strace s3  }
0x97: {  	_ =	strace $0x8FFFFFFF  }
0x98: {  	s19 =	sld [smem:$0x3FDB];
	_ =	sdelay $0x1  }
0x99: {  	s4 =	simm.s32 $_scs_section_size  }
0x9a: {  	s5 =	simm.s32 $_size__tile_overlayer_lowered;
	s6 =	simm.s32 $_tile_overlayer_lowered  }
0x9b: {  	s22 =	simm.s32 $0x1BFF;
	s21 =	sshll.u32 s6, $0x1;
	s3 =	sadd.s32 s4, s19  }
0x9c: {  	s7 =	simm.s32 $0x0;
	s20 =	sshll.u32 s5, $0x1;
	s5 =	sadd.s32 s21, s3  }
0x9d: {  	[timem:s7], [sflag:s22] =	dma.local [hbm:s5], s20  }
0x9e: {  	_ =	swait.ge [sflag:s22], s20  }
0x9f: {  	s4 =	ssub.s32 $0x0, s20;
	[sflag:s22] =	ssyncset.done $0x0  }
0xa0: {  	[sflag:s22] =	ssyncadd.s32 s4;
	_ =	sdelay $0x1  }
0xa1: {  	s23 =	simm.s32 $0x1B8B  }
0xa2: {  	_ =	swait.ge [sflag:s23], $0x1  }
0xa3: {  	[sflag:s23] =	ssyncset.done $0x0  }
0xa4: {  	s25 =	simm.s32 $0x1B8E;
	s24 =	sld [smem:$0x3FFE];
	[sflag:s23] =	ssyncadd.s32 $0xFFFFFFFF  }
0xa5: {  	s26 =	simm.s32 $execute0_lowered;
	[smem:$0x3FD2] =	sst s25  }
0xa6: {  	s5 =	sshll.u32 s26, $0x1;
	_ =	strace $0x80000046;
	[dreg:$0x1] =	wrdreg $0xFFFFFFFF  }
0xa7: {  	s28 =	simm.s32 $_size_execute0_lowered;
	s3 =	sadd.s32 s3, s5;
	[dreg:$0x0] =	wrdreg $0x0  }
0xa8: {  	s5 =	sshll.u32 s28, $0x1;
	[dreg:$0x2] =	wrdreg s3  }
0xa9: {  	[dreg:$0x3] =	wrdreg s5  }
0xaa: {  	[dreg:$0x4] =	wrdreg $0xC0  }
0xab: {  	_ =	task [dreg:s7], $0x5FFFF  }
0xac: {  	[dreg:$0x1] =	wrdreg $0xFFFFFFFF  }
0xad: {  	[dreg:$0x0] =	wrdreg $0x60  }
0xae: {  	[dreg:$0x2] =	wrdreg s2  }
0xaf: {  	[dreg:$0x3] =	wrdreg s24  }
0xb0: {  	[dreg:$0x4] =	wrdreg $0xB0000  }
0xb1: {  	[dreg:$0x5] =	wrdreg $0x9  }
0xb2: {  	_ =	task.clear_ibuf [dreg:s7], $0x6FFFF;
	_ =	strace $0x90000046  }
0xb3: {  	s29 =	simm.s32 $0x9;
	_ =	strace $0x80000048  }
0xb4: {  	_ =	swait.ge [sflag:s29], $0x1  }
0xb5: {  	[sflag:s29] =	ssyncadd.s32 $0xFFFFFFFF  }
0xb6: {  	_ =	strace $0x90000048  }
0xb7: {  	_ =	sfence  }
0xb8: {  	s30 =	sld [smem:$0x0];
	_ =	sdelay $0x2  }
0xb9: {  	s31 =	sshll.u32 s1, $0xD;
	s1 =	sshrl.u32 s1, $0x2  }
0xba: {  	s3 =	sand.u32 $0x4000, s31;
	s1 =	sadd.s32 s1, s30  }
0xbb: {  	s0 =	sor.u32 s3, s0;
	s1 =	sshll.u32 s1, $0x11  }
0xbc: {  	s0 =	sor.u32 s1, s0  }
0xbd: {  	s0 =	sadd.s32 $0x8F2B, s0  }
0xbe: {  	[sflag:s0] =	ssyncadd.remote.s32 $0x1  }
0xbf: {  	_ =	sfence.sel $0xFFFF  }
0xc0: {  	[dreg:$0x0] =	wrdreg $0xFFFFFFFF;
	(pc) =	sbr.abs _section_cstart, $3  }
0xc1: {  	[dreg:$0x1] =	wrdreg $0xFFFFFFFF  }
0xc2: {  	_ =	task.clear_ibuf [dreg:s7], $0x2FFFF;
	_ =	strace $0x9FFFFFFF  }
0xc3: {  	(tm) =	ssettm $0x7FFFFFFF  }
tec
execute0_lowered:
.L_overlay_start_1:
0x0: {  	(tag) =	ssettag $0x1  }
0x1: {  	s0 =	rddreg [dreg:$0x0]  }
0x2: {  	s1 =	srdreg.scid;
	s2 =	rddreg [dreg:$0x1]  }
0x3: {  	s3 =	rddreg [dreg:$0x2];
	s16 =	stileid.u32  }
0x4: {  	s4 =	simm.s32 $0x0;
	s14 =	simm.s32 $0x5;
	s15 =	simm.s32 $0x1400  }
0x5: {  	s19 =	simm.s32 $0x80;
	s20 =	simm.s32 $0x2800;
	s21 =	simm.s32 $0x6800  }
0x6: {  	s22 =	simm.s32 $0x1;
	s23 =	simm.s32 $0x2;
	s24 =	simm.s32 $0x3  }
0x7: {  	s25 =	simm.s32 $0x4;
	s28 =	simm.s32 $0xA800;
	s29 =	simm.s32 $0x27F0  }
0x8: {  	s30 =	simm.s32 $0x0;
	s1 =	sand.u32 $0x1, s1;
	s7 =	smul.u32 $0x4E000, s16  }
0x9: {  	[smem:$0x7FF] =	sst s4;
	s9 =	smul.u32 $0x13800, s16;
	s18 =	sadd.s32 $0x138000, s3  }
0xa: {  	p0 =	sne.s32 s16, $0xF;
	s31 =	sshll.u32 s16, $0x6;
	s5 =	sshll.u32 s1, $0x4  }
0xb: {  	_ =	strace $0x80000047;
	s6 =	ssub.s32 $0x2, s1;
	s1 =	smul.u32 $0x138800, s1  }
0xc: {  	s18 =	sshrl.u32 @!p0 s18, $0x3;
	s5 =	sor.u32 s16, s5;
	s26 =	sshrl.u32 s6, $0x1  }
0xd: {  	s7 =	sshrl.u32 s7, $0x2;
	s8 =	sshrl.u32 s9, $0x3;
	s16 =	sor.u32 $0x1C05, s31  }
0xe: {  	s5 =	smul.u32 $0x2710, s5;
	s13 =	ssub.s32 s6, s26;
	s17 =	sadd.s32 s7, s3  }
0xf: {  	s7 =	sadd.s32 s0, s8;
	s8 =	sadd.s32 $0x27000, s0;
	s11 =	sadd.s32 s9, s1  }
0x10: {  	s1 =	sshrl.u32 s1, $0x3;
	s11 =	sshrl.u32 s11, $0x3;
	s5 =	sshrl.u32 s5, $0x3  }
0x11: {  	s13 =	smax.u32 s13, $0x1;
	s17 =	sshrl.u32 s17, $0x3;
	s10 =	sadd.s32 s5, s2  }
0x12: {  	s2 =	sadd.s32 $0x14E00, s2;
	s5 =	sadd.s32 $0x1400, s10;
	s6 =	sadd.s32 $0xB040, s10  }
0x13: {  	s9 =	sadd.s32 $0x1662, s10;
	s10 =	sadd.s32 $0xB2A2, s10;
	s1 =	sadd.s32 s2, s1  }
0x14: {  	s11 =	sadd.s32 s2, s11;
	s2 =	simm.s32 $0x10;
	s12 =	sadd.s32 $0x27000, s1  }
.LBB2_1:
0x15: {  	[tilespmem:s4], [sflag:$0x5] =	stream.linear.gather [hbm4b:s5+s4], $0x1400, $0x38;
	[tilespmem:$0x1E880] =	vst v63  }
0x16: {  	_ =	swait.ge [sflag:s14], $0x1400  }
0x17: {  	[sflag:s14] =	ssyncset.done $0x0  }
0x18: {  	[sflag:s14] =	ssyncadd.s32 $0xFFFFEC00  }
0x19: {  	[tilespmem:s15], [sflag:$0x5] =	stream.linear.gather [hbm4b:s6+s4], $0x1400, $0x38;
	[tilespmem:$0x1E880] =	vst v63  }
0x1a: {  	_ =	swait.ge [sflag:s14], $0x1400  }
0x1b: {  	[sflag:s14] =	ssyncset.done $0x0  }
0x1c: {  	[sflag:s14] =	ssyncadd.s32 $0xFFFFEC00  }
0x1d: {  	[spmem:s17], [sflag:s16] =	dma.local [hbm:s7], $0x2700  }
0x1e: {  	_ =	swait.ge [sflag:s14], $0x2700  }
0x1f: {  	[sflag:s14] =	ssyncset.done $0x0  }
0x20: {  	s1 =	simm.s32 @!p0 $0x5;
	[sflag:s14] =	ssyncadd.s32 $0xFFFFD900  }
0x21: {  	[spmem:s18], [sflag:s16] =	dma.local @!p0 [hbm:s8], $0x100  }
0x22: {  	_ =	swait.ge @!p0 [sflag:s1], $0x100  }
0x23: {  	[sflag:s1] =	ssyncset.done @!p0 $0x0  }
0x24: {  	[sflag:s1] =	ssyncadd.s32 @!p0 $0xFFFFFF00  }
0x25: {  	[bflag:$0x0] =	sbarrier.arrive $0xFFFF  }
0x26: {  	[tilespmem:s20], [sflag:$0x1] =	stream.indirect.gather [hbm4b:s0+s19], $0x80, s4, s19, $0xb8;
	[tilespmem:$0x1E880] =	vst v63  }
0x27: {  	_ = 	snop  }
0x28: {  	[tilespmem:s21], [sflag:$0x2] =	stream.indirect.gather [hbm4b:s0+s19], $0x80, s19, s19, $0xb8;
	[tilespmem:$0x1E880] =	vst v63  }
0x29: {  	_ =	swait.ge [sflag:s22], $0x4000  }
0x2a: {  	[sflag:s22] =	ssyncset.done $0x0  }
0x2b: {  	s26 =	simm.s32 $0x1400;
	[sflag:s22] =	ssyncadd.s32 $0xFFFFC000  }
0x2c: {  	[spmem:s3] =	stream.indirect.scatter.add.f32 [tilespmem:s20], [sflag:$0x3], $0x80, s26, s19, $0xb8;
	[tilespmem:$0x1E880] =	vst v63  }
0x2d: {  	_ =	swait.ge [sflag:s23], $0x4000  }
0x2e: {  	[sflag:s23] =	ssyncset.done $0x0  }
0x2f: {  	s26 =	simm.s32 $0x1480;
	[sflag:s23] =	ssyncadd.s32 $0xFFFFC000  }
0x30: {  	[spmem:s3] =	stream.indirect.scatter.add.f32 [tilespmem:s21], [sflag:$0x4], $0x80, s26, s19, $0xb8;
	[tilespmem:$0x1E880] =	vst v63  }
0x31: {  	_ =	swait.ge [sflag:s24], $0x4000  }
0x32: {  	[sflag:s24] =	ssyncset.done $0x0  }
0x33: {  	s26 =	simm.s32 $0x100;
	[sflag:s24] =	ssyncadd.s32 $0xFFFFC000  }
0x34: {  	[tilespmem:s20], [sflag:$0x1] =	stream.indirect.gather [hbm4b:s0+s19], $0x80, s26, s19, $0xb8;
	[tilespmem:$0x1E880] =	vst v63  }
0x35: {  	_ =	swait.ge [sflag:s25], $0x4000  }
0x36: {  	[sflag:s25] =	ssyncset.done $0x0  }
0x37: {  	s31 =	simm.s32 $0x400;
	s1 =	simm.s32 $0x180;
	[sflag:s25] =	ssyncadd.s32 $0xFFFFC000  }
.LBB2_2:
0x38: {  	[tilespmem:s21], [sflag:$0x2] =	stream.indirect.gather [hbm4b:s0+s19], $0x80, s1, s19, $0xb8;
	[tilespmem:$0x1E880] =	vst v63  }
0x39: {  	s1 =	smov.u32 s31  }
0x3a: {  	p1 =	sne.s32 s31, $0x4800;
	s31 =	sadd.s32 $0x400, s31;
	_ =	swait.ge [sflag:s22], $0x4000  }
0x3b: {  	s1 =	sshra.s32 s1, $0x2;
	[sflag:s22] =	ssyncset.done $0x0  }
0x3c: {  	s26 =	sadd.s32 $0x1400, s1;
	[sflag:s22] =	ssyncadd.s32 $0xFFFFC000  }
0x3d: {  	[spmem:s3] =	stream.indirect.scatter.add.f32 [tilespmem:s20], [sflag:$0x3], $0x80, s26, s19, $0xb8;
	[tilespmem:$0x1E880] =	vst v63  }
0x3e: {  	_ =	swait.ge [sflag:s23], $0x4000  }
0x3f: {  	[sflag:s23] =	ssyncset.done $0x0  }
0x40: {  	s26 =	sadd.s32 $0x1480, s1;
	[sflag:s23] =	ssyncadd.s32 $0xFFFFC000  }
0x41: {  	[spmem:s3] =	stream.indirect.scatter.add.f32 [tilespmem:s21], [sflag:$0x4], $0x80, s26, s19, $0xb8;
	[tilespmem:$0x1E880] =	vst v63  }
0x42: {  	_ =	swait.ge [sflag:s24], $0x4000  }
0x43: {  	[sflag:s24] =	ssyncset.done $0x0  }
.Ltmp0:
0x44: {  	s26 =	sadd.s32 $0x100, s1;
	[sflag:s24] =	ssyncadd.s32 $0xFFFFC000;
	(pc) =	sbr.rel @p1 .LBB2_2-.Ltmp0, $4  }
0x45: {  	[tilespmem:s20], [sflag:$0x1] =	stream.indirect.gather [hbm4b:s0+s19], $0x80, s26, s19, $0xb8;
	[tilespmem:$0x1E880] =	vst v63  }
0x46: {  	_ =	swait.ge [sflag:s25], $0x4000  }
0x47: {  	[sflag:s25] =	ssyncset.done $0x0  }
0x48: {  	s1 =	sadd.s32 $0x180, s1;
	[sflag:s25] =	ssyncadd.s32 $0xFFFFC000  }
0x49: {  	[tilespmem:s21], [sflag:$0x2] =	stream.indirect.gather [hbm4b:s0+s19], $0x80, s1, s19, $0xb8;
	[tilespmem:$0x1E880] =	vst v63  }
0x4a: {  	_ =	swait.ge [sflag:s22], $0x4000  }
0x4b: {  	[sflag:s22] =	ssyncset.done $0x0  }
0x4c: {  	s26 =	simm.s32 $0x2700;
	[sflag:s22] =	ssyncadd.s32 $0xFFFFC000  }
0x4d: {  	[spmem:s3] =	stream.indirect.scatter.add.f32 [tilespmem:s20], [sflag:$0x3], $0x80, s26, s19, $0xb8;
	[tilespmem:$0x1E880] =	vst v63  }
0x4e: {  	_ =	swait.ge [sflag:s23], $0x4000  }
0x4f: {  	[sflag:s23] =	ssyncset.done $0x0  }
0x50: {  	s26 =	simm.s32 $0x2780;
	[sflag:s23] =	ssyncadd.s32 $0xFFFFC000  }
0x51: {  	[spmem:s3] =	stream.indirect.scatter.add.f32 [tilespmem:s21], [sflag:$0x4], $0x80, s26, s19, $0xb8;
	[tilespmem:$0x1E880] =	vst v63  }
0x52: {  	_ =	swait.ge [sflag:s24], $0x4000  }
0x53: {  	[sflag:s24] =	ssyncset.done $0x0  }
0x54: {  	[sflag:s24] =	ssyncadd.s32 $0xFFFFC000  }
0x55: {  	_ =	swait.ge [sflag:s25], $0x4000  }
0x56: {  	[sflag:s25] =	ssyncset.done $0x0  }
0x57: {  	[sflag:s25] =	ssyncadd.s32 $0xFFFFC000  }
0x58: {  	[tilespmem:s4], [sflag:$0x5] =	stream.linear.gather [hbm4b:s9+s4], $0x1400, $0x38;
	[tilespmem:$0x1E880] =	vst v63  }
0x59: {  	_ =	swait.ge [sflag:s14], $0x1400  }
0x5a: {  	[sflag:s14] =	ssyncset.done $0x0  }
0x5b: {  	[sflag:s14] =	ssyncadd.s32 $0xFFFFEC00  }
0x5c: {  	[tilespmem:s15], [sflag:$0x5] =	stream.linear.gather [hbm4b:s10+s4], $0x1400, $0x38;
	[tilespmem:$0x1E880] =	vst v63  }
0x5d: {  	_ =	swait.ge [sflag:s14], $0x1400  }
0x5e: {  	[sflag:s14] =	ssyncset.done $0x0  }
0x5f: {  	s26 =	simm.s32 $0xF0;
	[sflag:s14] =	ssyncadd.s32 $0xFFFFEC00  }
0x60: {  	[tilespmem:s20], [sflag:$0x1] =	stream.indirect.gather [hbm4b:s0+s19], $0x80, s26, s19, $0xb8;
	[tilespmem:$0x1E880] =	vst v63  }
0x61: {  	s26 =	simm.s32 $0x170  }
0x62: {  	[tilespmem:s21], [sflag:$0x2] =	stream.indirect.gather [hbm4b:s0+s19], $0x80, s26, s19, $0xb8;
	[tilespmem:$0x1E880] =	vst v63  }
0x63: {  	_ =	swait.ge [sflag:s22], $0x4000  }
0x64: {  	[sflag:s22] =	ssyncset.done $0x0  }
0x65: {  	s26 =	simm.s32 $0x14F0;
	[sflag:s22] =	ssyncadd.s32 $0xFFFFC000  }
0x66: {  	[spmem:s3] =	stream.indirect.scatter.add.f32 [tilespmem:s20], [sflag:$0x3], $0x80, s26, s19, $0xb8;
	[tilespmem:$0x1E880] =	vst v63  }
0x67: {  	_ =	swait.ge [sflag:s23], $0x4000  }
0x68: {  	[sflag:s23] =	ssyncset.done $0x0  }
0x69: {  	s26 =	simm.s32 $0x1570;
	[sflag:s23] =	ssyncadd.s32 $0xFFFFC000  }
0x6a: {  	[spmem:s3] =	stream.indirect.scatter.add.f32 [tilespmem:s21], [sflag:$0x4], $0x80, s26, s19, $0xb8;
	[tilespmem:$0x1E880] =	vst v63  }
0x6b: {  	_ =	swait.ge [sflag:s24], $0x4000  }
0x6c: {  	[sflag:s24] =	ssyncset.done $0x0  }
0x6d: {  	s26 =	simm.s32 $0x1F0;
	[sflag:s24] =	ssyncadd.s32 $0xFFFFC000  }
0x6e: {  	[tilespmem:s20], [sflag:$0x1] =	stream.indirect.gather [hbm4b:s0+s19], $0x80, s26, s19, $0xb8;
	[tilespmem:$0x1E880] =	vst v63  }
0x6f: {  	_ =	swait.ge [sflag:s25], $0x4000  }
0x70: {  	[sflag:s25] =	ssyncset.done $0x0  }
0x71: {  	s31 =	simm.s32 $0xFFFFBC00;
	s1 =	simm.s32 $0x270;
	[sflag:s25] =	ssyncadd.s32 $0xFFFFC000  }
.LBB2_4:
0x72: {  	[tilespmem:s21], [sflag:$0x2] =	stream.indirect.gather [hbm4b:s0+s19], $0x80, s1, s19, $0xb8;
	[tilespmem:$0x1E880] =	vst v63  }
0x73: {  	s1 =	smov.u32 s31  }
0x74: {  	p1 =	sne.s32 s31, $0xFFFFFC00;
	s31 =	sadd.s32 $0x400, s31;
	_ =	swait.ge [sflag:s22], $0x4000  }
0x75: {  	s1 =	sshra.s32 s1, $0x2;
	[sflag:s22] =	ssyncset.done $0x0  }
0x76: {  	s26 =	sadd.s32 $0x26F0, s1;
	[sflag:s22] =	ssyncadd.s32 $0xFFFFC000  }
0x77: {  	[spmem:s3] =	stream.indirect.scatter.add.f32 [tilespmem:s20], [sflag:$0x3], $0x80, s26, s19, $0xb8;
	[tilespmem:$0x1E880] =	vst v63  }
0x78: {  	_ =	swait.ge [sflag:s23], $0x4000  }
0x79: {  	[sflag:s23] =	ssyncset.done $0x0  }
0x7a: {  	s26 =	sadd.s32 $0x2770, s1;
	[sflag:s23] =	ssyncadd.s32 $0xFFFFC000  }
0x7b: {  	[spmem:s3] =	stream.indirect.scatter.add.f32 [tilespmem:s21], [sflag:$0x4], $0x80, s26, s19, $0xb8;
	[tilespmem:$0x1E880] =	vst v63  }
0x7c: {  	_ =	swait.ge [sflag:s24], $0x4000  }
0x7d: {  	[sflag:s24] =	ssyncset.done $0x0  }
.Ltmp1:
0x7e: {  	s26 =	sadd.s32 $0x13F0, s1;
	[sflag:s24] =	ssyncadd.s32 $0xFFFFC000;
	(pc) =	sbr.rel @p1 .LBB2_4-.Ltmp1, $4  }
0x7f: {  	[tilespmem:s20], [sflag:$0x1] =	stream.indirect.gather [hbm4b:s0+s19], $0x80, s26, s19, $0xb8;
	[tilespmem:$0x1E880] =	vst v63  }
0x80: {  	_ =	swait.ge [sflag:s25], $0x4000  }
0x81: {  	[sflag:s25] =	ssyncset.done $0x0  }
0x82: {  	s1 =	sadd.s32 $0x1470, s1;
	[sflag:s25] =	ssyncadd.s32 $0xFFFFC000  }
0x83: {  	[tilespmem:s21], [sflag:$0x2] =	stream.indirect.gather [hbm4b:s0+s19], $0x80, s1, s19, $0xb8;
	[tilespmem:$0x1E880] =	vst v63  }
0x84: {  	_ =	swait.ge [sflag:s22], $0x4000  }
0x85: {  	[sflag:s22] =	ssyncset.done $0x0  }
0x86: {  	s31 =	simm.s32 $0x26F0;
	[sflag:s22] =	ssyncadd.s32 $0xFFFFC000  }
0x87: {  	[spmem:s3] =	stream.indirect.scatter.add.f32 [tilespmem:s20], [sflag:$0x3], $0x80, s31, s19, $0xb8;
	[tilespmem:$0x1E880] =	vst v63  }
0x88: {  	_ =	swait.ge [sflag:s23], $0x4000  }
0x89: {  	[sflag:s23] =	ssyncset.done $0x0  }
0x8a: {  	s26 =	simm.s32 $0x2770;
	[sflag:s23] =	ssyncadd.s32 $0xFFFFC000  }
0x8b: {  	[spmem:s3] =	stream.indirect.scatter.add.f32 [tilespmem:s21], [sflag:$0x4], $0x80, s26, s19, $0xb8;
	[tilespmem:$0x1E880] =	vst v63  }
0x8c: {  	_ =	swait.ge [sflag:s24], $0x4000  }
0x8d: {  	[sflag:s24] =	ssyncset.done $0x0  }
0x8e: {  	[sflag:s24] =	ssyncadd.s32 $0xFFFFC000  }
0x8f: {  	_ =	swait.ge [sflag:s25], $0x4000  }
0x90: {  	[sflag:s25] =	ssyncset.done $0x0  }
0x91: {  	s31 =	simm.s32 $0x13F0;
	[sflag:s25] =	ssyncadd.s32 $0xFFFFC000  }
0x92: {  	[tilespmem:s28], [sflag:$0x1] =	stream.indirect.gather [hbm4b:s0+s2], $0x80, s31, s2, $0xb8;
	[tilespmem:$0x1E880] =	vst v63  }
0x93: {  	_ =	swait.ge [sflag:s22], $0x800  }
0x94: {  	[sflag:s22] =	ssyncset.done $0x0  }
0x95: {  	[sflag:s22] =	ssyncadd.s32 $0xFFFFF800  }
0x96: {  	[spmem:s3] =	stream.indirect.scatter.add.f32 [tilespmem:s28], [sflag:$0x3], $0x80, s29, s2, $0xb8;
	[tilespmem:$0x1E880] =	vst v63  }
0x97: {  	_ =	swait.ge [sflag:s24], $0x800  }
0x98: {  	[sflag:s24] =	ssyncset.done $0x0  }
0x99: {  	[sflag:s24] =	ssyncadd.s32 $0xFFFFF800  }
0x9a: {  	[bflag:$0x0] =	sbarrier.arrive $0xFFFF  }
0x9b: {  	[hbm:s11], [sflag:s16] =	dma.local [spmem:s17], $0x2700  }
0x9c: {  	s30 =	sadd.s32 $0x1, s30;
	_ =	swait.ge [sflag:s14], $0x2700  }
0x9d: {  	p1 =	sne.s32 s30, s13;
	[sflag:s14] =	ssyncset.done $0x0  }
.Ltmp2:
0x9e: {  	s1 =	simm.s32 @!p0 $0x5;
	[sflag:s14] =	ssyncadd.s32 $0xFFFFD900;
	(pc) =	sbr.rel @p1 .LBB2_1-.Ltmp2, $4  }
0x9f: {  	[hbm:s12], [sflag:s16] =	dma.local @!p0 [spmem:s18], $0x100  }
0xa0: {  	_ =	swait.ge @!p0 [sflag:s1], $0x100  }
0xa1: {  	[sflag:s1] =	ssyncset.done @!p0 $0x0  }
0xa2: {  	[sflag:s1] =	ssyncadd.s32 @!p0 $0xFFFFFF00  }
0xa3: {  	_ =	sfence.sel $0x180000  }
0xa4: {  	[bflag:$0x0] =	sbarrier.arrive $0xFFFF  }
0xa5: {  	_ =	strace $0x90000047  }
0xa6: {  	s0 =	stileid.u32;
	[bflag:$0x2] =	sbarrier.arrive $0xFFFF  }
0xa7: {  	p0 =	sne.s32 s0, $0x0;
	s0 =	rddreg [dreg:$0x3]  }
0xa8: {  	s0 =	sadd.s32 @!p0 $0x100000, s0  }
0xa9: {  	[sflag:s0] =	ssyncadd.tile.s32 @!p0 $0x1;
	_ =	shalt  }
.Lfunc_end2:
_tile_overlayer_lowered:
.L_overlay_start_2:
0xaa: {  	(tag) =	ssettag $0x2  }
0xab: {  	s0 =	rddreg [dreg:$0x0];
	s2 =	stileid.u32  }
0xac: {  	s1 =	rddreg [dreg:$0x1];
	p0 =	sne.s32 s2, $0x0  }
0xad: {  	s3 =	rddreg [dreg:$0x2];
	[bflag:$0x3] =	sbarrier.arrive $0xFFFF;
	s2 =	simm.s32 @!p0 $0x1C05  }
0xae: {  	[timem:s3], [sflag:s2] =	dma.local @!p0 [hbm:s0], s1  }
0xaf: {  	s0 =	simm.s32 @!p0 $0x5  }
0xb0: {  	_ =	swait.ge @!p0 [sflag:s0], s1  }
0xb1: {  	s1 =	ssub.s32 @!p0 $0x0, s1;
	[sflag:s0] =	ssyncset.done @!p0 $0x0  }
0xb2: {  	[sflag:s0] =	ssyncadd.s32 @!p0 s1  }
0xb3: {  	[bflag:$0x3] =	sbarrier.arrive $0xFFFF  }
0xb4: {  	_ =	shalt  }

</sc_bundles>
